<compile_context>
chip_gen: v7x
topology: tpu7x:2x2x1
jax: 0.10.2.dev20260603
libtpu: 0.0.44.dev20260713+nightly
codegen_flags: <defaults>
</compile_context>

<pallas_src>
import functools

import jax
import jax.numpy as jnp
from jax import lax
from jax.experimental import pallas as pl
from jax.experimental.pallas import tpu as pltpu
from jax.experimental.pallas import tpu_sc as plsc

N_ITEMS = 1000000
H = 64
BATCH = 16384
BN = 32768

NC = 2
NS = 16
L = 16
NW = NC * NS
BPW = BATCH // NW
CHUNK = 128
NCHUNK = BPW // CHUNK

_mesh = plsc.VectorSubcoreMesh(core_axis_name="c", subcore_axis_name="s")


def _matvec_body(w_ref, t_ref, o_ref):
    res = jnp.dot(w_ref[...], t_ref[...], preferred_element_type=jnp.float32)
    o_ref[...] = res[0]


def _matvec(lin_w, table_t):
    return pl.pallas_call(
        _matvec_body,
        grid=(pl.cdiv(N_ITEMS, BN),),
        in_specs=[
            pl.BlockSpec((1, H), lambda i: (0, 0)),
            pl.BlockSpec((H, BN), lambda i: (0, i)),
        ],
        out_specs=pl.BlockSpec((BN,), lambda i: (i,)),
        out_shape=jax.ShapeDtypeStruct((N_ITEMS,), jnp.float32),
    )(lin_w, table_t)


@functools.partial(
    pl.kernel,
    mesh=_mesh,
    out_type=jax.ShapeDtypeStruct((NW, NCHUNK, CHUNK), jnp.float32),
    compiler_params=pltpu.CompilerParams(
        needs_layout_passes=False, use_tc_tiling_on_sc=False
    ),
    scratch_types=[
        pltpu.VMEM((NCHUNK, CHUNK), jnp.int32),
        pltpu.VMEM((NCHUNK, CHUNK), jnp.float32),
        pltpu.VMEM((L,), jnp.float32),
        [pltpu.SemaphoreType.DMA] * NCHUNK,
    ],
)
def _gather(idx_hbm, y_hbm, b_hbm, out_hbm, idx_v, val_v, b_v, sems):
    wid = lax.axis_index("s") * NC + lax.axis_index("c")
    pltpu.sync_copy(idx_hbm.at[wid], idx_v)
    pltpu.sync_copy(b_hbm, b_v)
    copies = [
        pltpu.async_copy(y_hbm.at[idx_v.at[j]], val_v.at[j], sems[j])
        for j in range(NCHUNK)
    ]
    bias = b_v[pl.ds(0, L)][0]
    for j in range(NCHUNK):
        copies[j].wait()
        for q in range(CHUNK // L):
            val_v[j, pl.ds(q * L, L)] = val_v[j, pl.ds(q * L, L)] + bias
    pltpu.sync_copy(val_v, out_hbm.at[wid])


def kernel(users, items, emb_table, lin_w, lin_b):
    del users
    y_full = _matvec(lin_w, emb_table.T)
    idx = items.astype(jnp.int32).reshape(NW, NCHUNK, CHUNK)
    b16 = jnp.pad(lin_b.reshape(1), (0, L - 1))
    out = _gather(idx, y_full, b16)
    return out.reshape(BATCH, 1)

# --- scband reference (transcript-rebuilt; emitter-appended) ---
"""Pipeline reference for scband-utility-encoder-52759378264090 (READ-ONLY COPY).

The authoritative reference and input builder live on the scoring server;
editing this copy changes nothing except your own understanding.
"""

import jax, jax.numpy as jnp
import numpy as np

N_ITEMS = 1000000
H_DIM = 64
BATCH = 16384


def setup_inputs(seed: int = 0) -> dict:
    key = jax.random.key(seed)
    k_users, k_items, k_emb, k_w, k_b = jax.random.split(key, 5)
    users = jax.random.randint(k_users, (BATCH,), 0, N_ITEMS, dtype=jnp.int64 if jax.config.jax_enable_x64 else jnp.int32)
    items = jax.random.randint(k_items, (BATCH,), 0, N_ITEMS, dtype=jnp.int64 if jax.config.jax_enable_x64 else jnp.int32)
    # EmbeddingGrad weight table (equivalent to nn.Embedding / one-hot @ weight)
    emb_table = jax.random.normal(k_emb, (N_ITEMS, H_DIM), dtype=jnp.float32) * 0.02
    # nn.Linear(h_dim_size, 1): weight [1, H_DIM], bias [1]
    lin_w = jax.random.normal(k_w, (1, H_DIM), dtype=jnp.float32) * (1.0 / np.sqrt(H_DIM))
    lin_b = jax.random.normal(k_b, (1,), dtype=jnp.float32) * 0.01
    return {"users": users, "items": items, "emb_table": emb_table, "lin_w": lin_w, "lin_b": lin_b}


def reference(users, items, emb_table, lin_w, lin_b):
    # e_i = self.embedding(items)  -> gather rows of the embedding table
    e_i = jnp.take(emb_table, items, axis=0)  # [BATCH, H_DIM]
    # y_hat = self.weights(e_i)    -> Linear(h_dim_size, 1)
    y_hat = e_i @ lin_w.T + lin_b  # [BATCH, 1]
    return y_hat

if __name__ == "__main__":
    import jax
    _d = setup_inputs()
    print(jax.jit(kernel)(*tuple(_d.values())))

</pallas_src>

<mosaic_0001>
#map = affine_map<(d0, d1) -> (0, 0, 0)>
#map1 = affine_map<(d0, d1) -> (0)>
module attributes {stable_mosaic.version = 14 : i64} {
  func.func @_gather(%arg0: i32, %arg1: i32, %arg2: memref<32x4x128xi32, #tpu.memory_space<hbm>>, %arg3: memref<1000000xf32, #tpu.memory_space<hbm>>, %arg4: memref<16xf32, #tpu.memory_space<hbm>>, %arg5: memref<32x4x128xf32, #tpu.memory_space<hbm>>, %arg6: memref<4x128xi32, #tpu.memory_space<vmem>>, %arg7: memref<4x128xf32, #tpu.memory_space<vmem>>, %arg8: memref<16xf32, #tpu.memory_space<vmem>>, %arg9: memref<!tpu.dma_semaphore, #tpu.memory_space<semaphore_mem>>, %arg10: memref<!tpu.dma_semaphore, #tpu.memory_space<semaphore_mem>>, %arg11: memref<!tpu.dma_semaphore, #tpu.memory_space<semaphore_mem>>, %arg12: memref<!tpu.dma_semaphore, #tpu.memory_space<semaphore_mem>>) attributes {dimension_semantics = [#tpu.dimension_semantics<core_parallel>, #tpu.dimension_semantics<subcore_parallel>], iteration_bounds = array<i64: 2, 16>, scalar_prefetch = 0 : i64, scratch_operands = 7 : i64, tpu.core_type = #tpu.core_type<sc_vector_subcore>, window_params = [{transform_indices = #map}, {transform_indices = #map1}, {transform_indices = #map1}, {transform_indices = #map}]} {
    %mul3A = arith.constant 2 : i32
    %mul3A_0 = arith.muli %arg1, %mul3A : i32
    %add3A = arith.addi %mul3A_0, %arg0 : i32
    "tpu.region"() ({
      %run_scoped3A = tpu.sem_alloc : memref<!tpu.dma_semaphore, #tpu.memory_space<semaphore_mem>>
      %dma_start3A_399 = arith.constant 0 : i32
      %dma_start3A_400 = arith.constant 0 : i32
      %dma_start3A_401 = tpu.memref_slice %arg2[%add3A, %dma_start3A_399, %dma_start3A_400] : memref<32x4x128xi32, #tpu.memory_space<hbm>> -> memref<1x4x128xi32, #tpu.memory_space<hbm>>
      %dma_start3A_402 = tpu.memref_squeeze %dma_start3A_401 : memref<1x4x128xi32, #tpu.memory_space<hbm>> -> memref<4x128xi32, #tpu.memory_space<hbm>>
      %dma_start3A_403 = arith.constant 0 : i32
      %dma_start3A_404 = arith.constant 0 : i32
      %dma_start3A_405 = tpu.memref_slice %arg2[%add3A, %dma_start3A_403, %dma_start3A_404] : memref<32x4x128xi32, #tpu.memory_space<hbm>> -> memref<1x4x128xi32, #tpu.memory_space<hbm>>
      %dma_start3A_406 = tpu.memref_squeeze %dma_start3A_405 : memref<1x4x128xi32, #tpu.memory_space<hbm>> -> memref<4x128xi32, #tpu.memory_space<hbm>>
      tpu.enqueue_dma source(%dma_start3A_406 : memref<4x128xi32, #tpu.memory_space<hbm>>) target(%arg6 : memref<4x128xi32, #tpu.memory_space<vmem>>) target_semaphore(%run_scoped3A : memref<!tpu.dma_semaphore, #tpu.memory_space<semaphore_mem>>)
      %dma_wait3A_407 = arith.constant 0 : i32
      %dma_wait3A_408 = arith.constant 0 : i32
      %dma_wait3A_409 = tpu.memref_slice %arg2[%add3A, %dma_wait3A_407, %dma_wait3A_408] : memref<32x4x128xi32, #tpu.memory_space<hbm>> -> memref<1x4x128xi32, #tpu.memory_space<hbm>>
      %dma_wait3A_410 = tpu.memref_squeeze %dma_wait3A_409 : memref<1x4x128xi32, #tpu.memory_space<hbm>> -> memref<4x128xi32, #tpu.memory_space<hbm>>
      %dma_wait3A_411 = arith.constant 0 : i32
      %dma_wait3A_412 = arith.constant 0 : i32
      %dma_wait3A_413 = tpu.memref_slice %arg2[%add3A, %dma_wait3A_411, %dma_wait3A_412] : memref<32x4x128xi32, #tpu.memory_space<hbm>> -> memref<1x4x128xi32, #tpu.memory_space<hbm>>
      %dma_wait3A_414 = tpu.memref_squeeze %dma_wait3A_413 : memref<1x4x128xi32, #tpu.memory_space<hbm>> -> memref<4x128xi32, #tpu.memory_space<hbm>>
      tpu.wait_dma2 semaphore(%run_scoped3A : memref<!tpu.dma_semaphore, #tpu.memory_space<semaphore_mem>>) src(%dma_wait3A_414 : memref<4x128xi32, #tpu.memory_space<hbm>>) dst(%arg6 : memref<4x128xi32, #tpu.memory_space<vmem>>)
      tpu.yield
    }) : () -> ()
    "tpu.region"() ({
      %run_scoped3A = tpu.sem_alloc : memref<!tpu.dma_semaphore, #tpu.memory_space<semaphore_mem>>
      tpu.enqueue_dma source(%arg4 : memref<16xf32, #tpu.memory_space<hbm>>) target(%arg8 : memref<16xf32, #tpu.memory_space<vmem>>) target_semaphore(%run_scoped3A : memref<!tpu.dma_semaphore, #tpu.memory_space<semaphore_mem>>)
      tpu.wait_dma2 semaphore(%run_scoped3A : memref<!tpu.dma_semaphore, #tpu.memory_space<semaphore_mem>>) src(%arg4 : memref<16xf32, #tpu.memory_space<hbm>>) dst(%arg8 : memref<16xf32, #tpu.memory_space<vmem>>)
      tpu.yield
    }) : () -> ()
    %dma_start3A = arith.constant 0 : i32
    %dma_start3A_1 = arith.constant 0 : i32
    %dma_start3A_2 = arith.constant 0 : i32
    %dma_start3A_3 = tpu.memref_slice %arg7[%dma_start3A_1, %dma_start3A_2] : memref<4x128xf32, #tpu.memory_space<vmem>> -> memref<1x128xf32, #tpu.memory_space<vmem>>
    %dma_start3A_4 = tpu.memref_squeeze %dma_start3A_3 : memref<1x128xf32, #tpu.memory_space<vmem>> -> memref<128xf32, #tpu.memory_space<vmem>>
    %dma_start3A_5 = arith.constant 0 : i32
    %dma_start3A_6 = tpu.memref_slice %arg6[%dma_start3A, %dma_start3A_5] : memref<4x128xi32, #tpu.memory_space<vmem>> -> memref<1x128xi32, #tpu.memory_space<vmem>>
    %dma_start3A_7 = tpu.memref_squeeze %dma_start3A_6 : memref<1x128xi32, #tpu.memory_space<vmem>> -> memref<128xi32, #tpu.memory_space<vmem>>
    %dma_start3A_8 = arith.constant 0 : i32
    %dma_start3A_9 = tpu.memref_slice %arg3[%dma_start3A_8] : memref<1000000xf32, #tpu.memory_space<hbm>> -> memref<1000000xf32, #tpu.memory_space<hbm>>
    tpu.enqueue_indirect_dma source(%dma_start3A_9 : memref<1000000xf32, #tpu.memory_space<hbm>>) target(%dma_start3A_4 : memref<128xf32, #tpu.memory_space<vmem>>) offsets(%dma_start3A_7 : memref<128xi32, #tpu.memory_space<vmem>>) semaphore(%arg9 : memref<!tpu.dma_semaphore, #tpu.memory_space<semaphore_mem>>)
    %dma_start3A_10 = arith.constant 1 : i32
    %dma_start3A_11 = arith.constant 1 : i32
    %dma_start3A_12 = arith.constant 0 : i32
    %dma_start3A_13 = tpu.memref_slice %arg7[%dma_start3A_11, %dma_start3A_12] : memref<4x128xf32, #tpu.memory_space<vmem>> -> memref<1x128xf32, #tpu.memory_space<vmem>>
    %dma_start3A_14 = tpu.memref_squeeze %dma_start3A_13 : memref<1x128xf32, #tpu.memory_space<vmem>> -> memref<128xf32, #tpu.memory_space<vmem>>
    %dma_start3A_15 = arith.constant 0 : i32
    %dma_start3A_16 = tpu.memref_slice %arg6[%dma_start3A_10, %dma_start3A_15] : memref<4x128xi32, #tpu.memory_space<vmem>> -> memref<1x128xi32, #tpu.memory_space<vmem>>
    %dma_start3A_17 = tpu.memref_squeeze %dma_start3A_16 : memref<1x128xi32, #tpu.memory_space<vmem>> -> memref<128xi32, #tpu.memory_space<vmem>>
    %dma_start3A_18 = arith.constant 0 : i32
    %dma_start3A_19 = tpu.memref_slice %arg3[%dma_start3A_18] : memref<1000000xf32, #tpu.memory_space<hbm>> -> memref<1000000xf32, #tpu.memory_space<hbm>>
    tpu.enqueue_indirect_dma source(%dma_start3A_19 : memref<1000000xf32, #tpu.memory_space<hbm>>) target(%dma_start3A_14 : memref<128xf32, #tpu.memory_space<vmem>>) offsets(%dma_start3A_17 : memref<128xi32, #tpu.memory_space<vmem>>) semaphore(%arg10 : memref<!tpu.dma_semaphore, #tpu.memory_space<semaphore_mem>>)
    %dma_start3A_20 = arith.constant 2 : i32
    %dma_start3A_21 = arith.constant 2 : i32
    %dma_start3A_22 = arith.constant 0 : i32
    %dma_start3A_23 = tpu.memref_slice %arg7[%dma_start3A_21, %dma_start3A_22] : memref<4x128xf32, #tpu.memory_space<vmem>> -> memref<1x128xf32, #tpu.memory_space<vmem>>
    %dma_start3A_24 = tpu.memref_squeeze %dma_start3A_23 : memref<1x128xf32, #tpu.memory_space<vmem>> -> memref<128xf32, #tpu.memory_space<vmem>>
    %dma_start3A_25 = arith.constant 0 : i32
    %dma_start3A_26 = tpu.memref_slice %arg6[%dma_start3A_20, %dma_start3A_25] : memref<4x128xi32, #tpu.memory_space<vmem>> -> memref<1x128xi32, #tpu.memory_space<vmem>>
    %dma_start3A_27 = tpu.memref_squeeze %dma_start3A_26 : memref<1x128xi32, #tpu.memory_space<vmem>> -> memref<128xi32, #tpu.memory_space<vmem>>
    %dma_start3A_28 = arith.constant 0 : i32
    %dma_start3A_29 = tpu.memref_slice %arg3[%dma_start3A_28] : memref<1000000xf32, #tpu.memory_space<hbm>> -> memref<1000000xf32, #tpu.memory_space<hbm>>
    tpu.enqueue_indirect_dma source(%dma_start3A_29 : memref<1000000xf32, #tpu.memory_space<hbm>>) target(%dma_start3A_24 : memref<128xf32, #tpu.memory_space<vmem>>) offsets(%dma_start3A_27 : memref<128xi32, #tpu.memory_space<vmem>>) semaphore(%arg11 : memref<!tpu.dma_semaphore, #tpu.memory_space<semaphore_mem>>)
    %dma_start3A_30 = arith.constant 3 : i32
    %dma_start3A_31 = arith.constant 3 : i32
    %dma_start3A_32 = arith.constant 0 : i32
    %dma_start3A_33 = tpu.memref_slice %arg7[%dma_start3A_31, %dma_start3A_32] : memref<4x128xf32, #tpu.memory_space<vmem>> -> memref<1x128xf32, #tpu.memory_space<vmem>>
    %dma_start3A_34 = tpu.memref_squeeze %dma_start3A_33 : memref<1x128xf32, #tpu.memory_space<vmem>> -> memref<128xf32, #tpu.memory_space<vmem>>
    %dma_start3A_35 = arith.constant 0 : i32
    %dma_start3A_36 = tpu.memref_slice %arg6[%dma_start3A_30, %dma_start3A_35] : memref<4x128xi32, #tpu.memory_space<vmem>> -> memref<1x128xi32, #tpu.memory_space<vmem>>
    %dma_start3A_37 = tpu.memref_squeeze %dma_start3A_36 : memref<1x128xi32, #tpu.memory_space<vmem>> -> memref<128xi32, #tpu.memory_space<vmem>>
    %dma_start3A_38 = arith.constant 0 : i32
    %dma_start3A_39 = tpu.memref_slice %arg3[%dma_start3A_38] : memref<1000000xf32, #tpu.memory_space<hbm>> -> memref<1000000xf32, #tpu.memory_space<hbm>>
    tpu.enqueue_indirect_dma source(%dma_start3A_39 : memref<1000000xf32, #tpu.memory_space<hbm>>) target(%dma_start3A_34 : memref<128xf32, #tpu.memory_space<vmem>>) offsets(%dma_start3A_37 : memref<128xi32, #tpu.memory_space<vmem>>) semaphore(%arg12 : memref<!tpu.dma_semaphore, #tpu.memory_space<semaphore_mem>>)
    %get3A = arith.constant 0 : index
    %get3A_40 = tpu.vector_load %arg8[%get3A] {strides = array<i32>} : memref<16xf32, #tpu.memory_space<vmem>>, vector<16xf32>,
    %slice3A = vector.extract_strided_slice %get3A_40 {offsets = [0], sizes = [1], strides = [1]} : vector<16xf32> to vector<1xf32>
    %squeeze3A = vector.extract %slice3A[0] : f32 from vector<1xf32>
    %dma_wait3A = arith.constant 0 : i32
    %dma_wait3A_41 = arith.constant 0 : i32
    %dma_wait3A_42 = arith.constant 0 : i32
    %dma_wait3A_43 = tpu.memref_slice %arg7[%dma_wait3A_41, %dma_wait3A_42] : memref<4x128xf32, #tpu.memory_space<vmem>> -> memref<1x128xf32, #tpu.memory_space<vmem>>
    %dma_wait3A_44 = tpu.memref_squeeze %dma_wait3A_43 : memref<1x128xf32, #tpu.memory_space<vmem>> -> memref<128xf32, #tpu.memory_space<vmem>>
    %dma_wait3A_45 = arith.constant 0 : i32
    %dma_wait3A_46 = tpu.memref_slice %arg6[%dma_wait3A, %dma_wait3A_45] : memref<4x128xi32, #tpu.memory_space<vmem>> -> memref<1x128xi32, #tpu.memory_space<vmem>>
    %dma_wait3A_47 = tpu.memref_squeeze %dma_wait3A_46 : memref<1x128xi32, #tpu.memory_space<vmem>> -> memref<128xi32, #tpu.memory_space<vmem>>
    %dma_wait3A_48 = arith.constant 0 : i32
    %dma_wait3A_49 = tpu.memref_slice %arg3[%dma_wait3A_48] : memref<1000000xf32, #tpu.memory_space<hbm>> -> memref<1000000xf32, #tpu.memory_space<hbm>>
    tpu.wait_indirect_dma semaphore(%arg9 : memref<!tpu.dma_semaphore, #tpu.memory_space<semaphore_mem>>) src(%dma_wait3A_49 : memref<1000000xf32, #tpu.memory_space<hbm>>) dst(%dma_wait3A_44 : memref<128xf32, #tpu.memory_space<vmem>>)
    %get3A_50 = arith.constant 0 : i32
    %get3A_51 = arith.index_cast %get3A_50 : i32 to index
    %get3A_52 = arith.constant 0 : index
    %get3A_53 = tpu.vector_load %arg7[%get3A_51, %get3A_52] {strides = array<i32>} : memref<4x128xf32, #tpu.memory_space<vmem>>, vector<16xf32>,
    %add3A_54 = vector.broadcast %squeeze3A : f32 to vector<16xf32>
    %add3A_55 = arith.addf %get3A_53, %add3A_54 : vector<16xf32>
    %swap3A = arith.constant 0 : i32
    %swap3A_56 = arith.index_cast %swap3A : i32 to index
    %swap3A_57 = arith.constant 0 : index
    %swap3A_58 = tpu.vector_load %arg7[%swap3A_56, %swap3A_57] {strides = array<i32>} : memref<4x128xf32, #tpu.memory_space<vmem>>, vector<16xf32>,
    tpu.vector_store %arg7[%swap3A_56, %swap3A_57], %add3A_55 {strides = array<i32>} : memref<4x128xf32, #tpu.memory_space<vmem>>, vector<16xf32>,
    %get3A_59 = arith.constant 0 : i32
    %get3A_60 = arith.index_cast %get3A_59 : i32 to index
    %get3A_61 = arith.constant 16 : index
    %get3A_62 = tpu.vector_load %arg7[%get3A_60, %get3A_61] {strides = array<i32>} : memref<4x128xf32, #tpu.memory_space<vmem>>, vector<16xf32>,
    %add3A_63 = vector.broadcast %squeeze3A : f32 to vector<16xf32>
    %add3A_64 = arith.addf %get3A_62, %add3A_63 : vector<16xf32>
    %swap3A_65 = arith.constant 0 : i32
    %swap3A_66 = arith.index_cast %swap3A_65 : i32 to index
    %swap3A_67 = arith.constant 16 : index
    %swap3A_68 = tpu.vector_load %arg7[%swap3A_66, %swap3A_67] {strides = array<i32>} : memref<4x128xf32, #tpu.memory_space<vmem>>, vector<16xf32>,
    tpu.vector_store %arg7[%swap3A_66, %swap3A_67], %add3A_64 {strides = array<i32>} : memref<4x128xf32, #tpu.memory_space<vmem>>, vector<16xf32>,
    %get3A_69 = arith.constant 0 : i32
    %get3A_70 = arith.index_cast %get3A_69 : i32 to index
    %get3A_71 = arith.constant 32 : index
    %get3A_72 = tpu.vector_load %arg7[%get3A_70, %get3A_71] {strides = array<i32>} : memref<4x128xf32, #tpu.memory_space<vmem>>, vector<16xf32>,
    %add3A_73 = vector.broadcast %squeeze3A : f32 to vector<16xf32>
    %add3A_74 = arith.addf %get3A_72, %add3A_73 : vector<16xf32>
    %swap3A_75 = arith.constant 0 : i32
    %swap3A_76 = arith.index_cast %swap3A_75 : i32 to index
    %swap3A_77 = arith.constant 32 : index
    %swap3A_78 = tpu.vector_load %arg7[%swap3A_76, %swap3A_77] {strides = array<i32>} : memref<4x128xf32, #tpu.memory_space<vmem>>, vector<16xf32>,
    tpu.vector_store %arg7[%swap3A_76, %swap3A_77], %add3A_74 {strides = array<i32>} : memref<4x128xf32, #tpu.memory_space<vmem>>, vector<16xf32>,
    %get3A_79 = arith.constant 0 : i32
    %get3A_80 = arith.index_cast %get3A_79 : i32 to index
    %get3A_81 = arith.constant 48 : index
    %get3A_82 = tpu.vector_load %arg7[%get3A_80, %get3A_81] {strides = array<i32>} : memref<4x128xf32, #tpu.memory_space<vmem>>, vector<16xf32>,
    %add3A_83 = vector.broadcast %squeeze3A : f32 to vector<16xf32>
    %add3A_84 = arith.addf %get3A_82, %add3A_83 : vector<16xf32>
    %swap3A_85 = arith.constant 0 : i32
    %swap3A_86 = arith.index_cast %swap3A_85 : i32 to index
    %swap3A_87 = arith.constant 48 : index
    %swap3A_88 = tpu.vector_load %arg7[%swap3A_86, %swap3A_87] {strides = array<i32>} : memref<4x128xf32, #tpu.memory_space<vmem>>, vector<16xf32>,
    tpu.vector_store %arg7[%swap3A_86, %swap3A_87], %add3A_84 {strides = array<i32>} : memref<4x128xf32, #tpu.memory_space<vmem>>, vector<16xf32>,
    %get3A_89 = arith.constant 0 : i32
    %get3A_90 = arith.index_cast %get3A_89 : i32 to index
    %get3A_91 = arith.constant 64 : index
    %get3A_92 = tpu.vector_load %arg7[%get3A_90, %get3A_91] {strides = array<i32>} : memref<4x128xf32, #tpu.memory_space<vmem>>, vector<16xf32>,
    %add3A_93 = vector.broadcast %squeeze3A : f32 to vector<16xf32>
    %add3A_94 = arith.addf %get3A_92, %add3A_93 : vector<16xf32>
    %swap3A_95 = arith.constant 0 : i32
    %swap3A_96 = arith.index_cast %swap3A_95 : i32 to index
    %swap3A_97 = arith.constant 64 : index
    %swap3A_98 = tpu.vector_load %arg7[%swap3A_96, %swap3A_97] {strides = array<i32>} : memref<4x128xf32, #tpu.memory_space<vmem>>, vector<16xf32>,
    tpu.vector_store %arg7[%swap3A_96, %swap3A_97], %add3A_94 {strides = array<i32>} : memref<4x128xf32, #tpu.memory_space<vmem>>, vector<16xf32>,
    %get3A_99 = arith.constant 0 : i32
    %get3A_100 = arith.index_cast %get3A_99 : i32 to index
    %get3A_101 = arith.constant 80 : index
    %get3A_102 = tpu.vector_load %arg7[%get3A_100, %get3A_101] {strides = array<i32>} : memref<4x128xf32, #tpu.memory_space<vmem>>, vector<16xf32>,
    %add3A_103 = vector.broadcast %squeeze3A : f32 to vector<16xf32>
    %add3A_104 = arith.addf %get3A_102, %add3A_103 : vector<16xf32>
    %swap3A_105 = arith.constant 0 : i32
    %swap3A_106 = arith.index_cast %swap3A_105 : i32 to index
    %swap3A_107 = arith.constant 80 : index
    %swap3A_108 = tpu.vector_load %arg7[%swap3A_106, %swap3A_107] {strides = array<i32>} : memref<4x128xf32, #tpu.memory_space<vmem>>, vector<16xf32>,
    tpu.vector_store %arg7[%swap3A_106, %swap3A_107], %add3A_104 {strides = array<i32>} : memref<4x128xf32, #tpu.memory_space<vmem>>, vector<16xf32>,
    %get3A_109 = arith.constant 0 : i32
    %get3A_110 = arith.index_cast %get3A_109 : i32 to index
    %get3A_111 = arith.constant 96 : index
    %get3A_112 = tpu.vector_load %arg7[%get3A_110, %get3A_111] {strides = array<i32>} : memref<4x128xf32, #tpu.memory_space<vmem>>, vector<16xf32>,
    %add3A_113 = vector.broadcast %squeeze3A : f32 to vector<16xf32>
    %add3A_114 = arith.addf %get3A_112, %add3A_113 : vector<16xf32>
    %swap3A_115 = arith.constant 0 : i32
    %swap3A_116 = arith.index_cast %swap3A_115 : i32 to index
    %swap3A_117 = arith.constant 96 : index
    %swap3A_118 = tpu.vector_load %arg7[%swap3A_116, %swap3A_117] {strides = array<i32>} : memref<4x128xf32, #tpu.memory_space<vmem>>, vector<16xf32>,
    tpu.vector_store %arg7[%swap3A_116, %swap3A_117], %add3A_114 {strides = array<i32>} : memref<4x128xf32, #tpu.memory_space<vmem>>, vector<16xf32>,
    %get3A_119 = arith.constant 0 : i32
    %get3A_120 = arith.index_cast %get3A_119 : i32 to index
    %get3A_121 = arith.constant 112 : index
    %get3A_122 = tpu.vector_load %arg7[%get3A_120, %get3A_121] {strides = array<i32>} : memref<4x128xf32, #tpu.memory_space<vmem>>, vector<16xf32>,
    %add3A_123 = vector.broadcast %squeeze3A : f32 to vector<16xf32>
    %add3A_124 = arith.addf %get3A_122, %add3A_123 : vector<16xf32>
    %swap3A_125 = arith.constant 0 : i32
    %swap3A_126 = arith.index_cast %swap3A_125 : i32 to index
    %swap3A_127 = arith.constant 112 : index
    %swap3A_128 = tpu.vector_load %arg7[%swap3A_126, %swap3A_127] {strides = array<i32>} : memref<4x128xf32, #tpu.memory_space<vmem>>, vector<16xf32>,
    tpu.vector_store %arg7[%swap3A_126, %swap3A_127], %add3A_124 {strides = array<i32>} : memref<4x128xf32, #tpu.memory_space<vmem>>, vector<16xf32>,
    %dma_wait3A_129 = arith.constant 1 : i32
    %dma_wait3A_130 = arith.constant 1 : i32
    %dma_wait3A_131 = arith.constant 0 : i32
    %dma_wait3A_132 = tpu.memref_slice %arg7[%dma_wait3A_130, %dma_wait3A_131] : memref<4x128xf32, #tpu.memory_space<vmem>> -> memref<1x128xf32, #tpu.memory_space<vmem>>
    %dma_wait3A_133 = tpu.memref_squeeze %dma_wait3A_132 : memref<1x128xf32, #tpu.memory_space<vmem>> -> memref<128xf32, #tpu.memory_space<vmem>>
    %dma_wait3A_134 = arith.constant 0 : i32
    %dma_wait3A_135 = tpu.memref_slice %arg6[%dma_wait3A_129, %dma_wait3A_134] : memref<4x128xi32, #tpu.memory_space<vmem>> -> memref<1x128xi32, #tpu.memory_space<vmem>>
    %dma_wait3A_136 = tpu.memref_squeeze %dma_wait3A_135 : memref<1x128xi32, #tpu.memory_space<vmem>> -> memref<128xi32, #tpu.memory_space<vmem>>
    %dma_wait3A_137 = arith.constant 0 : i32
    %dma_wait3A_138 = tpu.memref_slice %arg3[%dma_wait3A_137] : memref<1000000xf32, #tpu.memory_space<hbm>> -> memref<1000000xf32, #tpu.memory_space<hbm>>
    tpu.wait_indirect_dma semaphore(%arg10 : memref<!tpu.dma_semaphore, #tpu.memory_space<semaphore_mem>>) src(%dma_wait3A_138 : memref<1000000xf32, #tpu.memory_space<hbm>>) dst(%dma_wait3A_133 : memref<128xf32, #tpu.memory_space<vmem>>)
    %get3A_139 = arith.constant 1 : i32
    %get3A_140 = arith.index_cast %get3A_139 : i32 to index
    %get3A_141 = arith.constant 0 : index
    %get3A_142 = tpu.vector_load %arg7[%get3A_140, %get3A_141] {strides = array<i32>} : memref<4x128xf32, #tpu.memory_space<vmem>>, vector<16xf32>,
    %add3A_143 = vector.broadcast %squeeze3A : f32 to vector<16xf32>
    %add3A_144 = arith.addf %get3A_142, %add3A_143 : vector<16xf32>
    %swap3A_145 = arith.constant 1 : i32
    %swap3A_146 = arith.index_cast %swap3A_145 : i32 to index
    %swap3A_147 = arith.constant 0 : index
    %swap3A_148 = tpu.vector_load %arg7[%swap3A_146, %swap3A_147] {strides = array<i32>} : memref<4x128xf32, #tpu.memory_space<vmem>>, vector<16xf32>,
    tpu.vector_store %arg7[%swap3A_146, %swap3A_147], %add3A_144 {strides = array<i32>} : memref<4x128xf32, #tpu.memory_space<vmem>>, vector<16xf32>,
    %get3A_149 = arith.constant 1 : i32
    %get3A_150 = arith.index_cast %get3A_149 : i32 to index
    %get3A_151 = arith.constant 16 : index
    %get3A_152 = tpu.vector_load %arg7[%get3A_150, %get3A_151] {strides = array<i32>} : memref<4x128xf32, #tpu.memory_space<vmem>>, vector<16xf32>,
    %add3A_153 = vector.broadcast %squeeze3A : f32 to vector<16xf32>
    %add3A_154 = arith.addf %get3A_152, %add3A_153 : vector<16xf32>
    %swap3A_155 = arith.constant 1 : i32
    %swap3A_156 = arith.index_cast %swap3A_155 : i32 to index
    %swap3A_157 = arith.constant 16 : index
    %swap3A_158 = tpu.vector_load %arg7[%swap3A_156, %swap3A_157] {strides = array<i32>} : memref<4x128xf32, #tpu.memory_space<vmem>>, vector<16xf32>,
    tpu.vector_store %arg7[%swap3A_156, %swap3A_157], %add3A_154 {strides = array<i32>} : memref<4x128xf32, #tpu.memory_space<vmem>>, vector<16xf32>,
    %get3A_159 = arith.constant 1 : i32
    %get3A_160 = arith.index_cast %get3A_159 : i32 to index
    %get3A_161 = arith.constant 32 : index
    %get3A_162 = tpu.vector_load %arg7[%get3A_160, %get3A_161] {strides = array<i32>} : memref<4x128xf32, #tpu.memory_space<vmem>>, vector<16xf32>,
    %add3A_163 = vector.broadcast %squeeze3A : f32 to vector<16xf32>
    %add3A_164 = arith.addf %get3A_162, %add3A_163 : vector<16xf32>
    %swap3A_165 = arith.constant 1 : i32
    %swap3A_166 = arith.index_cast %swap3A_165 : i32 to index
    %swap3A_167 = arith.constant 32 : index
    %swap3A_168 = tpu.vector_load %arg7[%swap3A_166, %swap3A_167] {strides = array<i32>} : memref<4x128xf32, #tpu.memory_space<vmem>>, vector<16xf32>,
    tpu.vector_store %arg7[%swap3A_166, %swap3A_167], %add3A_164 {strides = array<i32>} : memref<4x128xf32, #tpu.memory_space<vmem>>, vector<16xf32>,
    %get3A_169 = arith.constant 1 : i32
    %get3A_170 = arith.index_cast %get3A_169 : i32 to index
    %get3A_171 = arith.constant 48 : index
    %get3A_172 = tpu.vector_load %arg7[%get3A_170, %get3A_171] {strides = array<i32>} : memref<4x128xf32, #tpu.memory_space<vmem>>, vector<16xf32>,
    %add3A_173 = vector.broadcast %squeeze3A : f32 to vector<16xf32>
    %add3A_174 = arith.addf %get3A_172, %add3A_173 : vector<16xf32>
    %swap3A_175 = arith.constant 1 : i32
    %swap3A_176 = arith.index_cast %swap3A_175 : i32 to index
    %swap3A_177 = arith.constant 48 : index
    %swap3A_178 = tpu.vector_load %arg7[%swap3A_176, %swap3A_177] {strides = array<i32>} : memref<4x128xf32, #tpu.memory_space<vmem>>, vector<16xf32>,
    tpu.vector_store %arg7[%swap3A_176, %swap3A_177], %add3A_174 {strides = array<i32>} : memref<4x128xf32, #tpu.memory_space<vmem>>, vector<16xf32>,
    %get3A_179 = arith.constant 1 : i32
    %get3A_180 = arith.index_cast %get3A_179 : i32 to index
    %get3A_181 = arith.constant 64 : index
    %get3A_182 = tpu.vector_load %arg7[%get3A_180, %get3A_181] {strides = array<i32>} : memref<4x128xf32, #tpu.memory_space<vmem>>, vector<16xf32>,
    %add3A_183 = vector.broadcast %squeeze3A : f32 to vector<16xf32>
    %add3A_184 = arith.addf %get3A_182, %add3A_183 : vector<16xf32>
    %swap3A_185 = arith.constant 1 : i32
    %swap3A_186 = arith.index_cast %swap3A_185 : i32 to index
    %swap3A_187 = arith.constant 64 : index
    %swap3A_188 = tpu.vector_load %arg7[%swap3A_186, %swap3A_187] {strides = array<i32>} : memref<4x128xf32, #tpu.memory_space<vmem>>, vector<16xf32>,
    tpu.vector_store %arg7[%swap3A_186, %swap3A_187], %add3A_184 {strides = array<i32>} : memref<4x128xf32, #tpu.memory_space<vmem>>, vector<16xf32>,
    %get3A_189 = arith.constant 1 : i32
    %get3A_190 = arith.index_cast %get3A_189 : i32 to index
    %get3A_191 = arith.constant 80 : index
    %get3A_192 = tpu.vector_load %arg7[%get3A_190, %get3A_191] {strides = array<i32>} : memref<4x128xf32, #tpu.memory_space<vmem>>, vector<16xf32>,
    %add3A_193 = vector.broadcast %squeeze3A : f32 to vector<16xf32>
    %add3A_194 = arith.addf %get3A_192, %add3A_193 : vector<16xf32>
    %swap3A_195 = arith.constant 1 : i32
    %swap3A_196 = arith.index_cast %swap3A_195 : i32 to index
    %swap3A_197 = arith.constant 80 : index
    %swap3A_198 = tpu.vector_load %arg7[%swap3A_196, %swap3A_197] {strides = array<i32>} : memref<4x128xf32, #tpu.memory_space<vmem>>, vector<16xf32>,
    tpu.vector_store %arg7[%swap3A_196, %swap3A_197], %add3A_194 {strides = array<i32>} : memref<4x128xf32, #tpu.memory_space<vmem>>, vector<16xf32>,
    %get3A_199 = arith.constant 1 : i32
    %get3A_200 = arith.index_cast %get3A_199 : i32 to index
    %get3A_201 = arith.constant 96 : index
    %get3A_202 = tpu.vector_load %arg7[%get3A_200, %get3A_201] {strides = array<i32>} : memref<4x128xf32, #tpu.memory_space<vmem>>, vector<16xf32>,
    %add3A_203 = vector.broadcast %squeeze3A : f32 to vector<16xf32>
    %add3A_204 = arith.addf %get3A_202, %add3A_203 : vector<16xf32>
    %swap3A_205 = arith.constant 1 : i32
    %swap3A_206 = arith.index_cast %swap3A_205 : i32 to index
    %swap3A_207 = arith.constant 96 : index
    %swap3A_208 = tpu.vector_load %arg7[%swap3A_206, %swap3A_207] {strides = array<i32>} : memref<4x128xf32, #tpu.memory_space<vmem>>, vector<16xf32>,
    tpu.vector_store %arg7[%swap3A_206, %swap3A_207], %add3A_204 {strides = array<i32>} : memref<4x128xf32, #tpu.memory_space<vmem>>, vector<16xf32>,
    %get3A_209 = arith.constant 1 : i32
    %get3A_210 = arith.index_cast %get3A_209 : i32 to index
    %get3A_211 = arith.constant 112 : index
    %get3A_212 = tpu.vector_load %arg7[%get3A_210, %get3A_211] {strides = array<i32>} : memref<4x128xf32, #tpu.memory_space<vmem>>, vector<16xf32>,
    %add3A_213 = vector.broadcast %squeeze3A : f32 to vector<16xf32>
    %add3A_214 = arith.addf %get3A_212, %add3A_213 : vector<16xf32>
    %swap3A_215 = arith.constant 1 : i32
    %swap3A_216 = arith.index_cast %swap3A_215 : i32 to index
    %swap3A_217 = arith.constant 112 : index
    %swap3A_218 = tpu.vector_load %arg7[%swap3A_216, %swap3A_217] {strides = array<i32>} : memref<4x128xf32, #tpu.memory_space<vmem>>, vector<16xf32>,
    tpu.vector_store %arg7[%swap3A_216, %swap3A_217], %add3A_214 {strides = array<i32>} : memref<4x128xf32, #tpu.memory_space<vmem>>, vector<16xf32>,
    %dma_wait3A_219 = arith.constant 2 : i32
    %dma_wait3A_220 = arith.constant 2 : i32
    %dma_wait3A_221 = arith.constant 0 : i32
    %dma_wait3A_222 = tpu.memref_slice %arg7[%dma_wait3A_220, %dma_wait3A_221] : memref<4x128xf32, #tpu.memory_space<vmem>> -> memref<1x128xf32, #tpu.memory_space<vmem>>
    %dma_wait3A_223 = tpu.memref_squeeze %dma_wait3A_222 : memref<1x128xf32, #tpu.memory_space<vmem>> -> memref<128xf32, #tpu.memory_space<vmem>>
    %dma_wait3A_224 = arith.constant 0 : i32
    %dma_wait3A_225 = tpu.memref_slice %arg6[%dma_wait3A_219, %dma_wait3A_224] : memref<4x128xi32, #tpu.memory_space<vmem>> -> memref<1x128xi32, #tpu.memory_space<vmem>>
    %dma_wait3A_226 = tpu.memref_squeeze %dma_wait3A_225 : memref<1x128xi32, #tpu.memory_space<vmem>> -> memref<128xi32, #tpu.memory_space<vmem>>
    %dma_wait3A_227 = arith.constant 0 : i32
    %dma_wait3A_228 = tpu.memref_slice %arg3[%dma_wait3A_227] : memref<1000000xf32, #tpu.memory_space<hbm>> -> memref<1000000xf32, #tpu.memory_space<hbm>>
    tpu.wait_indirect_dma semaphore(%arg11 : memref<!tpu.dma_semaphore, #tpu.memory_space<semaphore_mem>>) src(%dma_wait3A_228 : memref<1000000xf32, #tpu.memory_space<hbm>>) dst(%dma_wait3A_223 : memref<128xf32, #tpu.memory_space<vmem>>)
    %get3A_229 = arith.constant 2 : i32
    %get3A_230 = arith.index_cast %get3A_229 : i32 to index
    %get3A_231 = arith.constant 0 : index
    %get3A_232 = tpu.vector_load %arg7[%get3A_230, %get3A_231] {strides = array<i32>} : memref<4x128xf32, #tpu.memory_space<vmem>>, vector<16xf32>,
    %add3A_233 = vector.broadcast %squeeze3A : f32 to vector<16xf32>
    %add3A_234 = arith.addf %get3A_232, %add3A_233 : vector<16xf32>
    %swap3A_235 = arith.constant 2 : i32
    %swap3A_236 = arith.index_cast %swap3A_235 : i32 to index
    %swap3A_237 = arith.constant 0 : index
    %swap3A_238 = tpu.vector_load %arg7[%swap3A_236, %swap3A_237] {strides = array<i32>} : memref<4x128xf32, #tpu.memory_space<vmem>>, vector<16xf32>,
    tpu.vector_store %arg7[%swap3A_236, %swap3A_237], %add3A_234 {strides = array<i32>} : memref<4x128xf32, #tpu.memory_space<vmem>>, vector<16xf32>,
    %get3A_239 = arith.constant 2 : i32
    %get3A_240 = arith.index_cast %get3A_239 : i32 to index
    %get3A_241 = arith.constant 16 : index
    %get3A_242 = tpu.vector_load %arg7[%get3A_240, %get3A_241] {strides = array<i32>} : memref<4x128xf32, #tpu.memory_space<vmem>>, vector<16xf32>,
    %add3A_243 = vector.broadcast %squeeze3A : f32 to vector<16xf32>
    %add3A_244 = arith.addf %get3A_242, %add3A_243 : vector<16xf32>
    %swap3A_245 = arith.constant 2 : i32
    %swap3A_246 = arith.index_cast %swap3A_245 : i32 to index
    %swap3A_247 = arith.constant 16 : index
    %swap3A_248 = tpu.vector_load %arg7[%swap3A_246, %swap3A_247] {strides = array<i32>} : memref<4x128xf32, #tpu.memory_space<vmem>>, vector<16xf32>,
    tpu.vector_store %arg7[%swap3A_246, %swap3A_247], %add3A_244 {strides = array<i32>} : memref<4x128xf32, #tpu.memory_space<vmem>>, vector<16xf32>,
    %get3A_249 = arith.constant 2 : i32
    %get3A_250 = arith.index_cast %get3A_249 : i32 to index
    %get3A_251 = arith.constant 32 : index
    %get3A_252 = tpu.vector_load %arg7[%get3A_250, %get3A_251] {strides = array<i32>} : memref<4x128xf32, #tpu.memory_space<vmem>>, vector<16xf32>,
    %add3A_253 = vector.broadcast %squeeze3A : f32 to vector<16xf32>
    %add3A_254 = arith.addf %get3A_252, %add3A_253 : vector<16xf32>
    %swap3A_255 = arith.constant 2 : i32
    %swap3A_256 = arith.index_cast %swap3A_255 : i32 to index
    %swap3A_257 = arith.constant 32 : index
    %swap3A_258 = tpu.vector_load %arg7[%swap3A_256, %swap3A_257] {strides = array<i32>} : memref<4x128xf32, #tpu.memory_space<vmem>>, vector<16xf32>,
    tpu.vector_store %arg7[%swap3A_256, %swap3A_257], %add3A_254 {strides = array<i32>} : memref<4x128xf32, #tpu.memory_space<vmem>>, vector<16xf32>,
    %get3A_259 = arith.constant 2 : i32
    %get3A_260 = arith.index_cast %get3A_259 : i32 to index
    %get3A_261 = arith.constant 48 : index
    %get3A_262 = tpu.vector_load %arg7[%get3A_260, %get3A_261] {strides = array<i32>} : memref<4x128xf32, #tpu.memory_space<vmem>>, vector<16xf32>,
    %add3A_263 = vector.broadcast %squeeze3A : f32 to vector<16xf32>
    %add3A_264 = arith.addf %get3A_262, %add3A_263 : vector<16xf32>
    %swap3A_265 = arith.constant 2 : i32
    %swap3A_266 = arith.index_cast %swap3A_265 : i32 to index
    %swap3A_267 = arith.constant 48 : index
    %swap3A_268 = tpu.vector_load %arg7[%swap3A_266, %swap3A_267] {strides = array<i32>} : memref<4x128xf32, #tpu.memory_space<vmem>>, vector<16xf32>,
    tpu.vector_store %arg7[%swap3A_266, %swap3A_267], %add3A_264 {strides = array<i32>} : memref<4x128xf32, #tpu.memory_space<vmem>>, vector<16xf32>,
    %get3A_269 = arith.constant 2 : i32
    %get3A_270 = arith.index_cast %get3A_269 : i32 to index
    %get3A_271 = arith.constant 64 : index
    %get3A_272 = tpu.vector_load %arg7[%get3A_270, %get3A_271] {strides = array<i32>} : memref<4x128xf32, #tpu.memory_space<vmem>>, vector<16xf32>,
    %add3A_273 = vector.broadcast %squeeze3A : f32 to vector<16xf32>
    %add3A_274 = arith.addf %get3A_272, %add3A_273 : vector<16xf32>
    %swap3A_275 = arith.constant 2 : i32
    %swap3A_276 = arith.index_cast %swap3A_275 : i32 to index
    %swap3A_277 = arith.constant 64 : index
    %swap3A_278 = tpu.vector_load %arg7[%swap3A_276, %swap3A_277] {strides = array<i32>} : memref<4x128xf32, #tpu.memory_space<vmem>>, vector<16xf32>,
    tpu.vector_store %arg7[%swap3A_276, %swap3A_277], %add3A_274 {strides = array<i32>} : memref<4x128xf32, #tpu.memory_space<vmem>>, vector<16xf32>,
    %get3A_279 = arith.constant 2 : i32
    %get3A_280 = arith.index_cast %get3A_279 : i32 to index
    %get3A_281 = arith.constant 80 : index
    %get3A_282 = tpu.vector_load %arg7[%get3A_280, %get3A_281] {strides = array<i32>} : memref<4x128xf32, #tpu.memory_space<vmem>>, vector<16xf32>,
    %add3A_283 = vector.broadcast %squeeze3A : f32 to vector<16xf32>
    %add3A_284 = arith.addf %get3A_282, %add3A_283 : vector<16xf32>
    %swap3A_285 = arith.constant 2 : i32
    %swap3A_286 = arith.index_cast %swap3A_285 : i32 to index
    %swap3A_287 = arith.constant 80 : index
    %swap3A_288 = tpu.vector_load %arg7[%swap3A_286, %swap3A_287] {strides = array<i32>} : memref<4x128xf32, #tpu.memory_space<vmem>>, vector<16xf32>,
    tpu.vector_store %arg7[%swap3A_286, %swap3A_287], %add3A_284 {strides = array<i32>} : memref<4x128xf32, #tpu.memory_space<vmem>>, vector<16xf32>,
    %get3A_289 = arith.constant 2 : i32
    %get3A_290 = arith.index_cast %get3A_289 : i32 to index
    %get3A_291 = arith.constant 96 : index
    %get3A_292 = tpu.vector_load %arg7[%get3A_290, %get3A_291] {strides = array<i32>} : memref<4x128xf32, #tpu.memory_space<vmem>>, vector<16xf32>,
    %add3A_293 = vector.broadcast %squeeze3A : f32 to vector<16xf32>
    %add3A_294 = arith.addf %get3A_292, %add3A_293 : vector<16xf32>
    %swap3A_295 = arith.constant 2 : i32
    %swap3A_296 = arith.index_cast %swap3A_295 : i32 to index
    %swap3A_297 = arith.constant 96 : index
    %swap3A_298 = tpu.vector_load %arg7[%swap3A_296, %swap3A_297] {strides = array<i32>} : memref<4x128xf32, #tpu.memory_space<vmem>>, vector<16xf32>,
    tpu.vector_store %arg7[%swap3A_296, %swap3A_297], %add3A_294 {strides = array<i32>} : memref<4x128xf32, #tpu.memory_space<vmem>>, vector<16xf32>,
    %get3A_299 = arith.constant 2 : i32
    %get3A_300 = arith.index_cast %get3A_299 : i32 to index
    %get3A_301 = arith.constant 112 : index
    %get3A_302 = tpu.vector_load %arg7[%get3A_300, %get3A_301] {strides = array<i32>} : memref<4x128xf32, #tpu.memory_space<vmem>>, vector<16xf32>,
    %add3A_303 = vector.broadcast %squeeze3A : f32 to vector<16xf32>
    %add3A_304 = arith.addf %get3A_302, %add3A_303 : vector<16xf32>
    %swap3A_305 = arith.constant 2 : i32
    %swap3A_306 = arith.index_cast %swap3A_305 : i32 to index
    %swap3A_307 = arith.constant 112 : index
    %swap3A_308 = tpu.vector_load %arg7[%swap3A_306, %swap3A_307] {strides = array<i32>} : memref<4x128xf32, #tpu.memory_space<vmem>>, vector<16xf32>,
    tpu.vector_store %arg7[%swap3A_306, %swap3A_307], %add3A_304 {strides = array<i32>} : memref<4x128xf32, #tpu.memory_space<vmem>>, vector<16xf32>,
    %dma_wait3A_309 = arith.constant 3 : i32
    %dma_wait3A_310 = arith.constant 3 : i32
    %dma_wait3A_311 = arith.constant 0 : i32
    %dma_wait3A_312 = tpu.memref_slice %arg7[%dma_wait3A_310, %dma_wait3A_311] : memref<4x128xf32, #tpu.memory_space<vmem>> -> memref<1x128xf32, #tpu.memory_space<vmem>>
    %dma_wait3A_313 = tpu.memref_squeeze %dma_wait3A_312 : memref<1x128xf32, #tpu.memory_space<vmem>> -> memref<128xf32, #tpu.memory_space<vmem>>
    %dma_wait3A_314 = arith.constant 0 : i32
    %dma_wait3A_315 = tpu.memref_slice %arg6[%dma_wait3A_309, %dma_wait3A_314] : memref<4x128xi32, #tpu.memory_space<vmem>> -> memref<1x128xi32, #tpu.memory_space<vmem>>
    %dma_wait3A_316 = tpu.memref_squeeze %dma_wait3A_315 : memref<1x128xi32, #tpu.memory_space<vmem>> -> memref<128xi32, #tpu.memory_space<vmem>>
    %dma_wait3A_317 = arith.constant 0 : i32
    %dma_wait3A_318 = tpu.memref_slice %arg3[%dma_wait3A_317] : memref<1000000xf32, #tpu.memory_space<hbm>> -> memref<1000000xf32, #tpu.memory_space<hbm>>
    tpu.wait_indirect_dma semaphore(%arg12 : memref<!tpu.dma_semaphore, #tpu.memory_space<semaphore_mem>>) src(%dma_wait3A_318 : memref<1000000xf32, #tpu.memory_space<hbm>>) dst(%dma_wait3A_313 : memref<128xf32, #tpu.memory_space<vmem>>)
    %get3A_319 = arith.constant 3 : i32
    %get3A_320 = arith.index_cast %get3A_319 : i32 to index
    %get3A_321 = arith.constant 0 : index
    %get3A_322 = tpu.vector_load %arg7[%get3A_320, %get3A_321] {strides = array<i32>} : memref<4x128xf32, #tpu.memory_space<vmem>>, vector<16xf32>,
    %add3A_323 = vector.broadcast %squeeze3A : f32 to vector<16xf32>
    %add3A_324 = arith.addf %get3A_322, %add3A_323 : vector<16xf32>
    %swap3A_325 = arith.constant 3 : i32
    %swap3A_326 = arith.index_cast %swap3A_325 : i32 to index
    %swap3A_327 = arith.constant 0 : index
    %swap3A_328 = tpu.vector_load %arg7[%swap3A_326, %swap3A_327] {strides = array<i32>} : memref<4x128xf32, #tpu.memory_space<vmem>>, vector<16xf32>,
    tpu.vector_store %arg7[%swap3A_326, %swap3A_327], %add3A_324 {strides = array<i32>} : memref<4x128xf32, #tpu.memory_space<vmem>>, vector<16xf32>,
    %get3A_329 = arith.constant 3 : i32
    %get3A_330 = arith.index_cast %get3A_329 : i32 to index
    %get3A_331 = arith.constant 16 : index
    %get3A_332 = tpu.vector_load %arg7[%get3A_330, %get3A_331] {strides = array<i32>} : memref<4x128xf32, #tpu.memory_space<vmem>>, vector<16xf32>,
    %add3A_333 = vector.broadcast %squeeze3A : f32 to vector<16xf32>
    %add3A_334 = arith.addf %get3A_332, %add3A_333 : vector<16xf32>
    %swap3A_335 = arith.constant 3 : i32
    %swap3A_336 = arith.index_cast %swap3A_335 : i32 to index
    %swap3A_337 = arith.constant 16 : index
    %swap3A_338 = tpu.vector_load %arg7[%swap3A_336, %swap3A_337] {strides = array<i32>} : memref<4x128xf32, #tpu.memory_space<vmem>>, vector<16xf32>,
    tpu.vector_store %arg7[%swap3A_336, %swap3A_337], %add3A_334 {strides = array<i32>} : memref<4x128xf32, #tpu.memory_space<vmem>>, vector<16xf32>,
    %get3A_339 = arith.constant 3 : i32
    %get3A_340 = arith.index_cast %get3A_339 : i32 to index
    %get3A_341 = arith.constant 32 : index
    %get3A_342 = tpu.vector_load %arg7[%get3A_340, %get3A_341] {strides = array<i32>} : memref<4x128xf32, #tpu.memory_space<vmem>>, vector<16xf32>,
    %add3A_343 = vector.broadcast %squeeze3A : f32 to vector<16xf32>
    %add3A_344 = arith.addf %get3A_342, %add3A_343 : vector<16xf32>
    %swap3A_345 = arith.constant 3 : i32
    %swap3A_346 = arith.index_cast %swap3A_345 : i32 to index
    %swap3A_347 = arith.constant 32 : index
    %swap3A_348 = tpu.vector_load %arg7[%swap3A_346, %swap3A_347] {strides = array<i32>} : memref<4x128xf32, #tpu.memory_space<vmem>>, vector<16xf32>,
    tpu.vector_store %arg7[%swap3A_346, %swap3A_347], %add3A_344 {strides = array<i32>} : memref<4x128xf32, #tpu.memory_space<vmem>>, vector<16xf32>,
    %get3A_349 = arith.constant 3 : i32
    %get3A_350 = arith.index_cast %get3A_349 : i32 to index
    %get3A_351 = arith.constant 48 : index
    %get3A_352 = tpu.vector_load %arg7[%get3A_350, %get3A_351] {strides = array<i32>} : memref<4x128xf32, #tpu.memory_space<vmem>>, vector<16xf32>,
    %add3A_353 = vector.broadcast %squeeze3A : f32 to vector<16xf32>
    %add3A_354 = arith.addf %get3A_352, %add3A_353 : vector<16xf32>
    %swap3A_355 = arith.constant 3 : i32
    %swap3A_356 = arith.index_cast %swap3A_355 : i32 to index
    %swap3A_357 = arith.constant 48 : index
    %swap3A_358 = tpu.vector_load %arg7[%swap3A_356, %swap3A_357] {strides = array<i32>} : memref<4x128xf32, #tpu.memory_space<vmem>>, vector<16xf32>,
    tpu.vector_store %arg7[%swap3A_356, %swap3A_357], %add3A_354 {strides = array<i32>} : memref<4x128xf32, #tpu.memory_space<vmem>>, vector<16xf32>,
    %get3A_359 = arith.constant 3 : i32
    %get3A_360 = arith.index_cast %get3A_359 : i32 to index
    %get3A_361 = arith.constant 64 : index
    %get3A_362 = tpu.vector_load %arg7[%get3A_360, %get3A_361] {strides = array<i32>} : memref<4x128xf32, #tpu.memory_space<vmem>>, vector<16xf32>,
    %add3A_363 = vector.broadcast %squeeze3A : f32 to vector<16xf32>
    %add3A_364 = arith.addf %get3A_362, %add3A_363 : vector<16xf32>
    %swap3A_365 = arith.constant 3 : i32
    %swap3A_366 = arith.index_cast %swap3A_365 : i32 to index
    %swap3A_367 = arith.constant 64 : index
    %swap3A_368 = tpu.vector_load %arg7[%swap3A_366, %swap3A_367] {strides = array<i32>} : memref<4x128xf32, #tpu.memory_space<vmem>>, vector<16xf32>,
    tpu.vector_store %arg7[%swap3A_366, %swap3A_367], %add3A_364 {strides = array<i32>} : memref<4x128xf32, #tpu.memory_space<vmem>>, vector<16xf32>,
    %get3A_369 = arith.constant 3 : i32
    %get3A_370 = arith.index_cast %get3A_369 : i32 to index
    %get3A_371 = arith.constant 80 : index
    %get3A_372 = tpu.vector_load %arg7[%get3A_370, %get3A_371] {strides = array<i32>} : memref<4x128xf32, #tpu.memory_space<vmem>>, vector<16xf32>,
    %add3A_373 = vector.broadcast %squeeze3A : f32 to vector<16xf32>
    %add3A_374 = arith.addf %get3A_372, %add3A_373 : vector<16xf32>
    %swap3A_375 = arith.constant 3 : i32
    %swap3A_376 = arith.index_cast %swap3A_375 : i32 to index
    %swap3A_377 = arith.constant 80 : index
    %swap3A_378 = tpu.vector_load %arg7[%swap3A_376, %swap3A_377] {strides = array<i32>} : memref<4x128xf32, #tpu.memory_space<vmem>>, vector<16xf32>,
    tpu.vector_store %arg7[%swap3A_376, %swap3A_377], %add3A_374 {strides = array<i32>} : memref<4x128xf32, #tpu.memory_space<vmem>>, vector<16xf32>,
    %get3A_379 = arith.constant 3 : i32
    %get3A_380 = arith.index_cast %get3A_379 : i32 to index
    %get3A_381 = arith.constant 96 : index
    %get3A_382 = tpu.vector_load %arg7[%get3A_380, %get3A_381] {strides = array<i32>} : memref<4x128xf32, #tpu.memory_space<vmem>>, vector<16xf32>,
    %add3A_383 = vector.broadcast %squeeze3A : f32 to vector<16xf32>
    %add3A_384 = arith.addf %get3A_382, %add3A_383 : vector<16xf32>
    %swap3A_385 = arith.constant 3 : i32
    %swap3A_386 = arith.index_cast %swap3A_385 : i32 to index
    %swap3A_387 = arith.constant 96 : index
    %swap3A_388 = tpu.vector_load %arg7[%swap3A_386, %swap3A_387] {strides = array<i32>} : memref<4x128xf32, #tpu.memory_space<vmem>>, vector<16xf32>,
    tpu.vector_store %arg7[%swap3A_386, %swap3A_387], %add3A_384 {strides = array<i32>} : memref<4x128xf32, #tpu.memory_space<vmem>>, vector<16xf32>,
    %get3A_389 = arith.constant 3 : i32
    %get3A_390 = arith.index_cast %get3A_389 : i32 to index
    %get3A_391 = arith.constant 112 : index
    %get3A_392 = tpu.vector_load %arg7[%get3A_390, %get3A_391] {strides = array<i32>} : memref<4x128xf32, #tpu.memory_space<vmem>>, vector<16xf32>,
    %add3A_393 = vector.broadcast %squeeze3A : f32 to vector<16xf32>
    %add3A_394 = arith.addf %get3A_392, %add3A_393 : vector<16xf32>
    %swap3A_395 = arith.constant 3 : i32
    %swap3A_396 = arith.index_cast %swap3A_395 : i32 to index
    %swap3A_397 = arith.constant 112 : index
    %swap3A_398 = tpu.vector_load %arg7[%swap3A_396, %swap3A_397] {strides = array<i32>} : memref<4x128xf32, #tpu.memory_space<vmem>>, vector<16xf32>,
    tpu.vector_store %arg7[%swap3A_396, %swap3A_397], %add3A_394 {strides = array<i32>} : memref<4x128xf32, #tpu.memory_space<vmem>>, vector<16xf32>,
    "tpu.region"() ({
      %run_scoped3A = tpu.sem_alloc : memref<!tpu.dma_semaphore, #tpu.memory_space<semaphore_mem>>
      %dma_start3A_399 = arith.constant 0 : i32
      %dma_start3A_400 = arith.constant 0 : i32
      %dma_start3A_401 = tpu.memref_slice %arg5[%add3A, %dma_start3A_399, %dma_start3A_400] : memref<32x4x128xf32, #tpu.memory_space<hbm>> -> memref<1x4x128xf32, #tpu.memory_space<hbm>>
      %dma_start3A_402 = tpu.memref_squeeze %dma_start3A_401 : memref<1x4x128xf32, #tpu.memory_space<hbm>> -> memref<4x128xf32, #tpu.memory_space<hbm>>
      %dma_start3A_403 = arith.constant 0 : i32
      %dma_start3A_404 = arith.constant 0 : i32
      %dma_start3A_405 = tpu.memref_slice %arg5[%add3A, %dma_start3A_403, %dma_start3A_404] : memref<32x4x128xf32, #tpu.memory_space<hbm>> -> memref<1x4x128xf32, #tpu.memory_space<hbm>>
      %dma_start3A_406 = tpu.memref_squeeze %dma_start3A_405 : memref<1x4x128xf32, #tpu.memory_space<hbm>> -> memref<4x128xf32, #tpu.memory_space<hbm>>
      tpu.enqueue_dma source(%arg7 : memref<4x128xf32, #tpu.memory_space<vmem>>) target(%dma_start3A_406 : memref<4x128xf32, #tpu.memory_space<hbm>>) target_semaphore(%run_scoped3A : memref<!tpu.dma_semaphore, #tpu.memory_space<semaphore_mem>>)
      %dma_wait3A_407 = arith.constant 0 : i32
      %dma_wait3A_408 = arith.constant 0 : i32
      %dma_wait3A_409 = tpu.memref_slice %arg5[%add3A, %dma_wait3A_407, %dma_wait3A_408] : memref<32x4x128xf32, #tpu.memory_space<hbm>> -> memref<1x4x128xf32, #tpu.memory_space<hbm>>
      %dma_wait3A_410 = tpu.memref_squeeze %dma_wait3A_409 : memref<1x4x128xf32, #tpu.memory_space<hbm>> -> memref<4x128xf32, #tpu.memory_space<hbm>>
      %dma_wait3A_411 = arith.constant 0 : i32
      %dma_wait3A_412 = arith.constant 0 : i32
      %dma_wait3A_413 = tpu.memref_slice %arg5[%add3A, %dma_wait3A_411, %dma_wait3A_412] : memref<32x4x128xf32, #tpu.memory_space<hbm>> -> memref<1x4x128xf32, #tpu.memory_space<hbm>>
      %dma_wait3A_414 = tpu.memref_squeeze %dma_wait3A_413 : memref<1x4x128xf32, #tpu.memory_space<hbm>> -> memref<4x128xf32, #tpu.memory_space<hbm>>
      tpu.wait_dma2 semaphore(%run_scoped3A : memref<!tpu.dma_semaphore, #tpu.memory_space<semaphore_mem>>) src(%arg7 : memref<4x128xf32, #tpu.memory_space<vmem>>) dst(%dma_wait3A_414 : memref<4x128xf32, #tpu.memory_space<hbm>>)
      tpu.yield
    }) : () -> ()
    return
  }
}

module attributes {stable_mosaic.version = 14 : i64} {
  func.func @_matvec_body(%arg0: i32, %arg1: memref<1x64xf32, #tpu.memory_space<vmem>>, %arg2: memref<64x32768xf32, #tpu.memory_space<vmem>>, %arg3: memref<32768xf32, #tpu.memory_space<vmem>>) attributes {dimension_semantics = [#tpu.dimension_semantics<arbitrary>], iteration_bounds = array<i64: 31>, scalar_prefetch = 0 : i64, scratch_operands = 0 : i64, tpu.core_type = #tpu.core_type<tc>, window_params = [{pipeline_mode = #tpu.pipeline_mode<synchronous>, transform_indices = @transform_0, window_bounds = array<i64: 1, 64>}, {transform_indices = @transform_1, window_bounds = array<i64: 64, 32768>}, {transform_indices = @transform_2, window_bounds = array<i64: 32768>}]} {
    %get3A = arith.constant 0 : index
    %get3A_0 = arith.constant 0 : index
    %get3A_1 = vector.load %arg1[%get3A, %get3A_0] : memref<1x64xf32, #tpu.memory_space<vmem>>, vector<1x64xf32>
    %get3A_2 = arith.constant 0 : index
    %get3A_3 = arith.constant 0 : index
    %get3A_4 = vector.load %arg2[%get3A_2, %get3A_3] : memref<64x32768xf32, #tpu.memory_space<vmem>>, vector<64x32768xf32>
    %dot_general3A = arith.constant dense<0.000000e+00> : vector<1x32768xf32>
    %dot_general3A_5 = tpu.matmul %get3A_1, %get3A_4, %dot_general3A {dimension_numbers = #tpu.dot_dimension_numbers<[1], [0], [0], [1], [0, 0, 1, 1], [], []>, transpose_lhs_hint = false} : vector<1x64xf32>, vector<64x32768xf32>, vector<1x32768xf32> -> vector<1x32768xf32>
    %squeeze3A = vector.shape_cast %dot_general3A_5 : vector<1x32768xf32> to vector<32768xf32>
    %swap3A = arith.constant 0 : index
    %swap3A_6 = vector.load %arg3[%swap3A] : memref<32768xf32, #tpu.memory_space<vmem>>, vector<32768xf32>
    tpu.vector_store %arg3[%swap3A], %squeeze3A {strides = array<i32>} : memref<32768xf32, #tpu.memory_space<vmem>>, vector<32768xf32>,
    return
  }
  func.func @transform_0(%arg0: i32) -> (i32, i32) {
    %c0_i32 = arith.constant 0 : i32
    %c0_i32_0 = arith.constant 0 : i32
    %c0_i32_1 = arith.constant 0 : i32
    return %c0_i32, %c0_i32_0 : i32, i32
  }
  func.func @transform_1(%arg0: i32) -> (i32, i32) {
    %c0_i32 = arith.constant 0 : i32
    %c0_i32_0 = arith.constant 0 : i32
    return %c0_i32, %arg0 : i32, i32
  }
  func.func @transform_2(%arg0: i32) -> i32 {
    %c0_i32 = arith.constant 0 : i32
    return %arg0 : i32
  }
}

</mosaic_0001>

<sc_bundles>
// kernel: kernel.4.cloned.1.call-start
scs
__scs_entry_jumppad:
0x0: {  	(pc) =	sbr.rel $0x88, $3  }
0x1: {  	(tag) =	ssettag $0x0;
	lr =	simm.s32 $0x1  }
0x2: {  	[smem:$0x3F9D] =	sst lr;
	_ =	strace $0xD0000000  }
0x3: {  	_ = 	snop  }
0x4: {  	_ = 	snop  }
0x5: {  	_ = 	snop  }
0x6: {  	_ = 	snop  }
0x7: {  	_ = 	snop  }
__scs_overlays_trampoline_lowered:
0x8: {  	[smem:$0x3FAC] =	sst s0  }
0x9: {  	[smem:$0x3FAD] =	sst s1  }
0xa: {  	[smem:$0x3FAE] =	sst s2  }
0xb: {  	[smem:$0x3FAF] =	sst s3  }
0xc: {  	[smem:$0x3FB0] =	sst s4  }
0xd: {  	[smem:$0x3FB1] =	sst s5  }
0xe: {  	[smem:$0x3FB2] =	sst s6  }
0xf: {  	[smem:$0x3FB3] =	sst s7  }
0x10: {  	[smem:$0x3FB4] =	sst s8  }
0x11: {  	[smem:$0x3FB5] =	sst s9;
	s0 =	simm.s32 @!p0 $0x0  }
0x12: {  	s1 =	sld [smem:$0x3F9B];
	s0 =	simm.s32 @p0 $0x1  }
0x13: {  	[smem:$0x3FB6] =	sst s0;
	s0 =	simm.s32 @!p1 $0x0  }
0x14: {  	s2 =	sld [smem:$0x3F9A];
	s0 =	simm.s32 @p1 $0x1  }
0x15: {  	[smem:$0x3FB7] =	sst s0;
	s0 =	simm.s32 @!p2 $0x0  }
0x16: {  	s3 =	sld [smem:$0x3FDB];
	s0 =	simm.s32 @p2 $0x1  }
0x17: {  	s4 =	simm.s32 $0x1BF5;
	[smem:$0x3FB9] =	sst s0  }
0x18: {  	s0 =	sld [smem:$0x3F9C];
	_ =	swait.ge [sflag:s4], $0x0  }
0x19: {  	s7 =	sld [smem:$0x3F9D]  }
0x1a: {  	s8 =	sadd.s32 $0xFFFFE003, lr  }
0x1b: {  	s9 =	sadd.s32 $0xFFFFFEF7, lr;
	s5 =	simm.s32 $0xFFFFFFFF;
	p2 =	slt.u32 s8, $0xFFFFF086  }
0x1c: {  	p1 =	slt.u32 s9, $0xF7A;
	s5 =	simm.s32 @!p2 $0x0  }
0x1d: {  	s5 =	simm.s32 @p1 $0x1;
	p0 =	seq.s32 s7, s2  }
0x1e: {  	s7 =	smul.u32 @!p0 $0xF7A, s2;
	p2 =	seq.s32 @!p0 s5, $0x0  }
0x1f: {  	s9 =	smul.u32 $0xF7A, s1;
	s8 =	simm.s32 @!p0 $0x1BF5;
	p2 =	por !p2, p0  }
0x20: {  	[sflag:s8] =	ssyncset.s32 @!p0 $0xFFFFF086;
	s6 =	sadd.s32 @!p0 s3, s7;
	s7 =	simm.s32 @!p0 $0x108  }
0x21: {  	s3 =	sadd.s32 s3, s9;
	s6 =	sadd.s32 @!p0 $0x88, s6;
	s7 =	simm.s32 @p2 $0x1082  }
0x22: {  	[simem:s7], [sflag:s8] =	dma.local @!p0 [hbm:s6], $0xF7A  }
0x23: {  	s9 =	sor.u32 $0xD0000000, s2;
	s6 =	simm.s32 $0x108;
	_ =	swait.ge @!p0 [sflag:s8], $0x0  }
0x24: {  	s3 =	sadd.s32 $0x88, s3;
	s6 =	simm.s32 @!p1 $0x1082;
	[sflag:s4] =	ssyncset.s32 $0xFFFFF086  }
0x25: {  	[simem:s6], [sflag:s4] =	dma.local [hbm:s3], $0xF7A  }
0x26: {  	[smem:$0x3F9D] =	sst s1;
	(tag) =	ssettag s2;
	_ =	strace s9  }
0x27: {  	s1 =	sld [smem:$0x3FAD]  }
0x28: {  	s2 =	sld [smem:$0x3FAE]  }
0x29: {  	s4 =	sld [smem:$0x3FB0]  }
0x2a: {  	p0 =	seq.s32 s5, $0x0;
	s5 =	sld [smem:$0x3FB1]  }
0x2b: {  	s6 =	sld [smem:$0x3FB2]  }
0x2c: {  	s7 =	sld [smem:$0x3FB3]  }
0x2d: {  	s3 =	simm.s32 $0x108;
	s8 =	sld [smem:$0x3FB4]  }
0x2e: {  	s3 =	simm.s32 @!p0 $0x1082;
	s9 =	sld [smem:$0x3FB5]  }
0x2f: {  	lr =	sadd.s32 s0, s3;
	s0 =	sld [smem:$0x3FAC]  }
0x30: {  	s3 =	sld [smem:$0x3FAF]  }
0x31: {  	[smem:$0x3FB8] =	sst s10  }
0x32: {  	s10 =	sld [smem:$0x3FB6];
	_ =	sdelay $0x3  }
0x33: {  	p0 =	seq.s32 s10, $0x1;
	s10 =	sld [smem:$0x3FB8];
	_ =	sdelay $0x3  }
0x34: {  	[smem:$0x3FB8] =	sst s10  }
0x35: {  	s10 =	sld [smem:$0x3FB7];
	_ =	sdelay $0x3  }
0x36: {  	p1 =	seq.s32 s10, $0x1;
	s10 =	sld [smem:$0x3FB8];
	_ =	sdelay $0x3  }
0x37: {  	[smem:$0x3FB8] =	sst s10  }
0x38: {  	s10 =	sld [smem:$0x3FB9]  }
0x39: {  	_ = 	snop;
	(pc) =	sbr.ind lr, $3  }
0x3a: {  	_ = 	snop  }
0x3b: {  	_ = 	snop  }
0x3c: {  	p2 =	seq.s32 s10, $0x1;
	s10 =	sld [smem:$0x3FB8]  }
0x3d: {  	_ =	shalt  }
0x3e: {  	_ =	shalt  }
0x3f: {  	_ =	shalt  }
0x40: {  	_ =	shalt  }
0x41: {  	_ =	shalt  }
0x42: {  	_ =	shalt  }
0x43: {  	_ =	shalt  }
0x44: {  	_ =	shalt  }
0x45: {  	_ =	shalt  }
0x46: {  	_ =	shalt  }
0x47: {  	_ =	shalt  }
0x48: {  	_ =	shalt  }
0x49: {  	_ =	shalt  }
0x4a: {  	_ =	shalt  }
0x4b: {  	_ =	shalt  }
0x4c: {  	_ =	shalt  }
0x4d: {  	_ =	shalt  }
0x4e: {  	_ =	shalt  }
0x4f: {  	_ =	shalt  }
0x50: {  	_ =	shalt  }
0x51: {  	_ =	shalt  }
0x52: {  	_ =	shalt  }
0x53: {  	_ =	shalt  }
0x54: {  	_ =	shalt  }
0x55: {  	_ =	shalt  }
0x56: {  	_ =	shalt  }
0x57: {  	_ =	shalt  }
0x58: {  	_ =	shalt  }
0x59: {  	_ =	shalt  }
0x5a: {  	_ =	shalt  }
0x5b: {  	_ =	shalt  }
0x5c: {  	_ =	shalt  }
0x5d: {  	_ =	shalt  }
0x5e: {  	_ =	shalt  }
0x5f: {  	_ =	shalt  }
0x60: {  	_ =	shalt  }
0x61: {  	_ =	shalt  }
0x62: {  	_ =	shalt  }
0x63: {  	_ =	shalt  }
0x64: {  	_ =	shalt  }
0x65: {  	_ =	shalt  }
0x66: {  	_ =	shalt  }
0x67: {  	_ =	shalt  }
0x68: {  	_ =	shalt  }
0x69: {  	_ =	shalt  }
0x6a: {  	_ =	shalt  }
0x6b: {  	_ =	shalt  }
0x6c: {  	_ =	shalt  }
0x6d: {  	_ =	shalt  }
0x6e: {  	_ =	shalt  }
0x6f: {  	_ =	shalt  }
0x70: {  	_ =	shalt  }
0x71: {  	_ =	shalt  }
0x72: {  	_ =	shalt  }
0x73: {  	_ =	shalt  }
0x74: {  	_ =	shalt  }
0x75: {  	_ =	shalt  }
0x76: {  	_ =	shalt  }
0x77: {  	_ =	shalt  }
0x78: {  	_ =	shalt  }
0x79: {  	_ =	shalt  }
0x7a: {  	_ =	shalt  }
0x7b: {  	_ =	shalt  }
0x7c: {  	_ =	shalt  }
0x7d: {  	_ =	shalt  }
0x7e: {  	_ =	shalt  }
0x7f: {  	_ =	shalt  }
0x80: {  	_ =	shalt  }
0x81: {  	_ =	shalt  }
0x82: {  	_ =	shalt  }
0x83: {  	_ =	shalt  }
0x84: {  	_ =	shalt  }
0x85: {  	_ =	shalt  }
0x86: {  	_ =	shalt  }
0x87: {  	_ =	shalt  }
.Lfunc_end0:
.L_simem_size_0:
called_computation_lowered:
.L_overlay_start_0:
0x88: {  	s2 =	sld [smem:$0x3FD9]  }
0x89: {  	s3 =	sld [smem:$0x3FFE];
	_ =	sdelay $0x1  }
0x8a: {  	s1 =	srdreg.scid  }
0x8b: {  	s0 =	sand.u32 $0x1, s1  }
0x8c: {  	s17 =	sshll.u32 s0, $0xA;
	s2 =	sadd.s32 s3, s2  }
0x8d: {  	s2 =	sadd.s32 s2, s17  }
0x8e: {  	[smem:$0x3FC4] =	sst s2  }
0x8f: {  	_ = 	snop  }
0x90: {  	s2 =	sld [smem:$0x3FC9]  }
0x91: {  	s18 =	sld [smem:$0x3FD0];
	(tm) =	ssettm $0x1  }
0x92: {  	s4 =	sld [smem:$0x3FFB];
	_ =	sdelay $0x3  }
0x93: {  	_ =	strace s4  }
0x94: {  	s4 =	sld [smem:$0x3FFC];
	_ =	sdelay $0x3  }
0x95: {  	_ =	strace s4  }
0x96: {  	s4 =	sld [smem:$0x3FFD];
	_ =	sdelay $0x3  }
0x97: {  	_ =	strace s4  }
0x98: {  	_ =	strace $0x8FFFFFFF  }
0x99: {  	s19 =	sld [smem:$0x3FDB];
	_ =	sdelay $0x1  }
0x9a: {  	s5 =	simm.s32 $_scs_section_size  }
0x9b: {  	s6 =	simm.s32 $_size__tile_overlayer_lowered;
	s7 =	simm.s32 $_tile_overlayer_lowered  }
0x9c: {  	s22 =	simm.s32 $0x1BFF;
	s21 =	sshll.u32 s7, $0x1;
	s4 =	sadd.s32 s5, s19  }
0x9d: {  	s8 =	simm.s32 $0x0;
	s20 =	sshll.u32 s6, $0x1;
	s6 =	sadd.s32 s21, s4  }
0x9e: {  	[timem:s8], [sflag:s22] =	dma.local [hbm:s6], s20  }
0x9f: {  	_ =	swait.ge [sflag:s22], s20  }
0xa0: {  	s5 =	ssub.s32 $0x0, s20;
	[sflag:s22] =	ssyncset.done $0x0  }
0xa1: {  	[sflag:s22] =	ssyncadd.s32 s5;
	_ =	sdelay $0x1  }
0xa2: {  	s23 =	simm.s32 $0x1B8B  }
0xa3: {  	_ =	swait.ge [sflag:s23], $0x1  }
0xa4: {  	[sflag:s23] =	ssyncset.done $0x0  }
0xa5: {  	s25 =	simm.s32 $0x1B8E;
	s24 =	sld [smem:$0x3FFE];
	[sflag:s23] =	ssyncadd.s32 $0xFFFFFFFF  }
0xa6: {  	s26 =	simm.s32 $execute0_lowered;
	[smem:$0x3FD2] =	sst s25  }
0xa7: {  	s6 =	sshll.u32 s26, $0x1;
	_ =	strace $0x80000046;
	[dreg:$0x1] =	wrdreg $0xFFFFFFFF  }
0xa8: {  	s28 =	simm.s32 $_size_execute0_lowered;
	s4 =	sadd.s32 s4, s6;
	[dreg:$0x0] =	wrdreg $0x0  }
0xa9: {  	s6 =	sshll.u32 s28, $0x1;
	[dreg:$0x2] =	wrdreg s4  }
0xaa: {  	[dreg:$0x3] =	wrdreg s6  }
0xab: {  	[dreg:$0x4] =	wrdreg $0xC0  }
0xac: {  	_ =	task [dreg:s8], $0x5FFFF  }
0xad: {  	[dreg:$0x1] =	wrdreg $0xFFFFFFFF  }
0xae: {  	[dreg:$0x0] =	wrdreg $0x60  }
0xaf: {  	[dreg:$0x2] =	wrdreg s2  }
0xb0: {  	[dreg:$0x3] =	wrdreg s24  }
0xb1: {  	[dreg:$0x4] =	wrdreg s18  }
0xb2: {  	[dreg:$0x5] =	wrdreg $0x9  }
0xb3: {  	_ =	task.clear_ibuf [dreg:s8], $0x6FFFF;
	_ =	strace $0x90000046  }
0xb4: {  	s29 =	simm.s32 $0x9;
	_ =	strace $0x80000048  }
0xb5: {  	_ =	swait.ge [sflag:s29], $0x1  }
0xb6: {  	[sflag:s29] =	ssyncadd.s32 $0xFFFFFFFF  }
0xb7: {  	_ =	strace $0x90000048  }
0xb8: {  	_ =	sfence  }
0xb9: {  	s30 =	sld [smem:$0x0];
	_ =	sdelay $0x2  }
0xba: {  	s31 =	sshll.u32 s1, $0xD;
	s1 =	sshrl.u32 s1, $0x2  }
0xbb: {  	s3 =	sand.u32 $0x4000, s31;
	s1 =	sadd.s32 s1, s30  }
0xbc: {  	s0 =	sor.u32 s3, s0;
	s1 =	sshll.u32 s1, $0x11  }
0xbd: {  	s0 =	sor.u32 s1, s0  }
0xbe: {  	s0 =	sadd.s32 $0x8F2B, s0  }
0xbf: {  	[sflag:s0] =	ssyncadd.remote.s32 $0x1  }
0xc0: {  	_ =	sfence.sel $0xFFFF  }
0xc1: {  	[dreg:$0x0] =	wrdreg $0xFFFFFFFF;
	(pc) =	sbr.abs _section_cstart, $3  }
0xc2: {  	[dreg:$0x1] =	wrdreg $0xFFFFFFFF  }
0xc3: {  	_ =	task.clear_ibuf [dreg:s8], $0x2FFFF;
	_ =	strace $0x9FFFFFFF  }
0xc4: {  	(tm) =	ssettm $0x7FFFFFFF  }
0xc5: {  	_ =	shalt  }
tec
execute0_lowered:
.L_overlay_start_1:
0x0: {  	(tag) =	ssettag $0x1  }
0x1: {  	s3 =	rddreg [dreg:$0x0]  }
0x2: {  	s4 =	rddreg [dreg:$0x1]  }
0x3: {  	s16 =	rddreg [dreg:$0x2];
	s2 =	srdreg.scid  }
0x4: {  	s0 =	rddreg [dreg:$0x3];
	s1 =	stileid.u32;
	s19 =	sand.u32 $0x1, s2  }
0x5: {  	s2 =	simm.s32 $0x0;
	s5 =	sshll.u32 s1, $0x7;
	s6 =	sshll.u32 s19, $0x6  }
0x6: {  	[smem:$0x7FF] =	sst s2;
	s18 =	sor.u32 s6, s5  }
0x7: {  	_ =	strace $0x80000047;
	s5 =	sadd.s32 s3, s18;
	s3 =	simm.s32 $0x5  }
0x8: {  	[tilespmem:s2], [sflag:$0x5] =	stream.linear.gather [hbm4b:s5+s2], $0x200, $0x38;
	[tilespmem:$0x410] =	vst v63  }
0x9: {  	_ =	swait.ge [sflag:s3], $0x200  }
0xa: {  	[sflag:s3] =	ssyncset.done $0x0  }
0xb: {  	s7 =	simm.s32 $0x400;
	s6 =	sadd.s32 $0x800, s4;
	[sflag:s3] =	ssyncadd.s32 $0xFFFFFE00  }
0xc: {  	[tilespmem:s7], [sflag:$0x5] =	stream.linear.gather [hbm4b:s6+s2], $0x10, $0x38;
	[tilespmem:$0x410] =	vst v63  }
0xd: {  	_ =	swait.ge [sflag:s3], $0x10  }
0xe: {  	s9 =	simm.s32 $0x80;
	[sflag:s3] =	ssyncset.done $0x0  }
0xf: {  	s8 =	sadd.s32 $0xA00, s4;
	s4 =	simm.s32 $0x200;
	[sflag:s3] =	ssyncadd.s32 $0xFFFFFFF0  }
0x10: {  	[tilespmem:s4], [sflag:$0x1] =	stream.indirect.gather [hbm4b:s8+s9], $0x1, s2, s9, $0xb8;
	[tilespmem:$0x410] =	vst v63  }
0x11: {  	s10 =	simm.s32 $0x280  }
0x12: {  	[tilespmem:s10], [sflag:$0x2] =	stream.indirect.gather [hbm4b:s8+s9], $0x1, s9, s9, $0xb8;
	[tilespmem:$0x410] =	vst v63  }
0x13: {  	s11 =	simm.s32 $0x100;
	s12 =	simm.s32 $0x300  }
0x14: {  	[tilespmem:s12], [sflag:$0x3] =	stream.indirect.gather [hbm4b:s8+s9], $0x1, s11, s9, $0xb8;
	[tilespmem:$0x410] =	vst v63  }
0x15: {  	s13 =	simm.s32 $0x180;
	s14 =	simm.s32 $0x380;
	s15 =	simm.s32 $0x1  }
0x16: {  	[tilespmem:s14], [sflag:$0x4] =	stream.indirect.gather [hbm4b:s8+s9], $0x1, s13, s9, $0xb8;
	[tilespmem:$0x410] =	vst v63  }
0x17: {  	v0 =	vld.msk [tilespmem:$0x400 ss:$0x0], $0xffff;
	_ =	swait.ge [sflag:s15], $0x80  }
0x18: {  	[sflag:s15] =	ssyncset.done $0x0  }
0x19: {  	[sflag:s15] =	ssyncadd.s32 $0xFFFFFF80  }
0x1a: {  	v1 =	vld [tilespmem:$0x220]  }
0x1b: {  	v2 =	vld [tilespmem:$0x270]  }
0x1c: {  	v3 =	vld [tilespmem:$0x210]  }
0x1d: {  	v4 =	vld [tilespmem:$0x200]  }
0x1e: {  	v5 =	vld [tilespmem:$0x260]  }
0x1f: {  	v7 =	vld [tilespmem:$0x240];
	v1 =	vadd.f32 v1, v0  }
0x20: {  	v6 =	vld [tilespmem:$0x250];
	v2 =	vadd.f32 v2, v0  }
0x21: {  	v8 =	vld [tilespmem:$0x230];
	v3 =	vadd.f32 v3, v0;
	[tilespmem:$0x220] =	vst v1  }
0x22: {  	v1 =	vadd.f32 v4, v0;
	[tilespmem:$0x270] =	vst v2  }
0x23: {  	[tilespmem:$0x210] =	vst v3;
	v2 =	vadd.f32 v5, v0  }
0x24: {  	v3 =	vadd.f32 v7, v0;
	[tilespmem:$0x200] =	vst v1  }
0x25: {  	v1 =	vadd.f32 v6, v0;
	[tilespmem:$0x260] =	vst v2  }
0x26: {  	v2 =	vadd.f32 v8, v0;
	[tilespmem:$0x240] =	vst v3  }
0x27: {  	[tilespmem:$0x250] =	vst v1  }
0x28: {  	s17 =	simm.s32 $0x2;
	[tilespmem:$0x230] =	vst v2  }
0x29: {  	_ =	swait.ge [sflag:s17], $0x80  }
0x2a: {  	[sflag:s17] =	ssyncset.done $0x0  }
0x2b: {  	[sflag:s17] =	ssyncadd.s32 $0xFFFFFF80  }
0x2c: {  	v1 =	vld [tilespmem:$0x2E0]  }
0x2d: {  	v2 =	vld [tilespmem:$0x2A0]  }
0x2e: {  	v3 =	vld [tilespmem:$0x2B0]  }
0x2f: {  	v59 =	vld [tilespmem:$0x280]  }
0x30: {  	v61 =	vld [tilespmem:$0x290]  }
0x31: {  	s19 =	ssub.s32 $0x2, s19;
	v60 =	vld [tilespmem:$0x2C0];
	v1 =	vadd.f32 v1, v0  }
0x32: {  	s20 =	sshrl.u32 s19, $0x1;
	v63 =	vld [tilespmem:$0x2D0];
	v2 =	vadd.f32 v2, v0  }
0x33: {  	s19 =	ssub.s32 s19, s20;
	v62 =	vld [tilespmem:$0x2F0];
	[tilespmem:$0x2E0] =	vst v1;
	v1 =	vadd.f32 v3, v0  }
0x34: {  	s20 =	smax.u32 s19, $0x1;
	v3 =	vadd.f32 v59, v0;
	[tilespmem:$0x2A0] =	vst v2  }
0x35: {  	p0 =	sne.s32 s20, $0x1;
	v2 =	vadd.f32 v61, v0;
	[tilespmem:$0x2B0] =	vst v1  }
.Ltmp0:
0x36: {  	v1 =	vadd.f32 v60, v0;
	[tilespmem:$0x280] =	vst v3;
	(pc) =	sbr.rel @!p0 .LBB2_2-.Ltmp0, $4  }
0x37: {  	v3 =	vadd.f32 v63, v0;
	[tilespmem:$0x290] =	vst v2  }
0x38: {  	[tilespmem:$0x2C0] =	vst v1;
	v1 =	vadd.f32 v62, v0  }
0x39: {  	s16 =	sadd.s32 s16, s18;
	[tilespmem:$0x2D0] =	vst v3  }
0x3a: {  	s18 =	simm.s32 $0x4;
	s19 =	simm.s32 $0x3;
	s20 =	sadd.s32 $0xFFFFFFFF, s20;
	[tilespmem:$0x2F0] =	vst v1  }
.LBB2_1:
0x3b: {  	p0 =	sne.s32 s20, $0x1;
	s20 =	sadd.s32 $0xFFFFFFFF, s20;
	_ =	swait.ge [sflag:s19], $0x80  }
0x3c: {  	[sflag:s19] =	ssyncset.done $0x0  }
0x3d: {  	[sflag:s19] =	ssyncadd.s32 $0xFFFFFF80  }
0x3e: {  	v1 =	vld [tilespmem:$0x370]  }
0x3f: {  	v2 =	vld [tilespmem:$0x330]  }
0x40: {  	v3 =	vld [tilespmem:$0x360]  }
0x41: {  	v4 =	vld [tilespmem:$0x320]  }
0x42: {  	v5 =	vld [tilespmem:$0x350]  }
0x43: {  	v6 =	vld [tilespmem:$0x340];
	v1 =	vadd.f32 v1, v0  }
0x44: {  	v7 =	vld [tilespmem:$0x310];
	v2 =	vadd.f32 v2, v0  }
0x45: {  	v8 =	vld [tilespmem:$0x300];
	v3 =	vadd.f32 v3, v0;
	[tilespmem:$0x370] =	vst v1  }
0x46: {  	v1 =	vadd.f32 v4, v0;
	[tilespmem:$0x330] =	vst v2  }
0x47: {  	v2 =	vadd.f32 v5, v0;
	[tilespmem:$0x360] =	vst v3  }
0x48: {  	[tilespmem:$0x320] =	vst v1;
	v1 =	vadd.f32 v6, v0  }
0x49: {  	v3 =	vadd.f32 v7, v0;
	[tilespmem:$0x350] =	vst v2  }
0x4a: {  	v2 =	vadd.f32 v8, v0;
	[tilespmem:$0x340] =	vst v1  }
0x4b: {  	[tilespmem:$0x310] =	vst v3  }
0x4c: {  	[tilespmem:$0x300] =	vst v2  }
0x4d: {  	_ =	swait.ge [sflag:s18], $0x80  }
0x4e: {  	[sflag:s18] =	ssyncset.done $0x0  }
0x4f: {  	[sflag:s18] =	ssyncadd.s32 $0xFFFFFF80  }
0x50: {  	v1 =	vld [tilespmem:$0x380]  }
0x51: {  	v2 =	vld [tilespmem:$0x390]  }
0x52: {  	v3 =	vld [tilespmem:$0x3A0]  }
0x53: {  	v4 =	vld [tilespmem:$0x3B0]  }
0x54: {  	v5 =	vld [tilespmem:$0x3D0]  }
0x55: {  	v1 =	vadd.f32 v1, v0;
	v6 =	vld [tilespmem:$0x3E0]  }
0x56: {  	v2 =	vadd.f32 v2, v0;
	v7 =	vld [tilespmem:$0x3F0]  }
0x57: {  	[tilespmem:$0x380] =	vst v1;
	v1 =	vadd.f32 v3, v0;
	v3 =	vld [tilespmem:$0x3C0]  }
0x58: {  	[tilespmem:$0x390] =	vst v2;
	v2 =	vadd.f32 v4, v0  }
0x59: {  	[tilespmem:$0x3A0] =	vst v1;
	v1 =	vadd.f32 v5, v0  }
0x5a: {  	[tilespmem:$0x3B0] =	vst v2;
	v2 =	vadd.f32 v6, v0  }
0x5b: {  	[tilespmem:$0x3D0] =	vst v1;
	v1 =	vadd.f32 v7, v0  }
0x5c: {  	v0 =	vadd.f32 v3, v0;
	[tilespmem:$0x3E0] =	vst v2  }
0x5d: {  	[tilespmem:$0x3F0] =	vst v1  }
0x5e: {  	[tilespmem:$0x3C0] =	vst v0  }
0x5f: {  	[hbm4b:s16+s2] =	stream.linear.scatter [tilespmem:s4], [sflag:$0x5], $0x200, $0x38;
	[tilespmem:$0x410] =	vst v63  }
0x60: {  	_ =	swait.ge [sflag:s3], $0x200  }
0x61: {  	[sflag:s3] =	ssyncset.done $0x0  }
0x62: {  	[sflag:s3] =	ssyncadd.s32 $0xFFFFFE00  }
0x63: {  	[tilespmem:s2], [sflag:$0x5] =	stream.linear.gather [hbm4b:s5+s2], $0x200, $0x38;
	[tilespmem:$0x410] =	vst v63  }
0x64: {  	_ =	swait.ge [sflag:s3], $0x200  }
0x65: {  	[sflag:s3] =	ssyncset.done $0x0  }
0x66: {  	[sflag:s3] =	ssyncadd.s32 $0xFFFFFE00  }
0x67: {  	[tilespmem:s7], [sflag:$0x5] =	stream.linear.gather [hbm4b:s6+s2], $0x10, $0x38;
	[tilespmem:$0x410] =	vst v63  }
0x68: {  	_ =	swait.ge [sflag:s3], $0x10  }
0x69: {  	[sflag:s3] =	ssyncset.done $0x0  }
0x6a: {  	[sflag:s3] =	ssyncadd.s32 $0xFFFFFFF0  }
0x6b: {  	[tilespmem:s4], [sflag:$0x1] =	stream.indirect.gather [hbm4b:s8+s9], $0x1, s2, s9, $0xb8;
	[tilespmem:$0x410] =	vst v63  }
0x6c: {  	_ = 	snop  }
0x6d: {  	[tilespmem:s10], [sflag:$0x2] =	stream.indirect.gather [hbm4b:s8+s9], $0x1, s9, s9, $0xb8;
	[tilespmem:$0x410] =	vst v63  }
0x6e: {  	_ = 	snop  }
0x6f: {  	[tilespmem:s12], [sflag:$0x3] =	stream.indirect.gather [hbm4b:s8+s9], $0x1, s11, s9, $0xb8;
	[tilespmem:$0x410] =	vst v63  }
0x70: {  	_ = 	snop  }
0x71: {  	[tilespmem:s14], [sflag:$0x4] =	stream.indirect.gather [hbm4b:s8+s9], $0x1, s13, s9, $0xb8;
	[tilespmem:$0x410] =	vst v63  }
0x72: {  	v0 =	vld.msk [tilespmem:$0x400 ss:$0x0], $0xffff  }
0x73: {  	_ =	swait.ge [sflag:s15], $0x80  }
0x74: {  	[sflag:s15] =	ssyncset.done $0x0  }
0x75: {  	[sflag:s15] =	ssyncadd.s32 $0xFFFFFF80  }
0x76: {  	v1 =	vld [tilespmem:$0x270]  }
0x77: {  	v2 =	vld [tilespmem:$0x220]  }
0x78: {  	v3 =	vld [tilespmem:$0x210]  }
0x79: {  	v4 =	vld [tilespmem:$0x230]  }
0x7a: {  	v5 =	vld [tilespmem:$0x200]  }
0x7b: {  	v6 =	vld [tilespmem:$0x260];
	v1 =	vadd.f32 v1, v0  }
0x7c: {  	v2 =	vadd.f32 v2, v0;
	v7 =	vld [tilespmem:$0x250]  }
0x7d: {  	v3 =	vadd.f32 v3, v0;
	v8 =	vld [tilespmem:$0x240]  }
0x7e: {  	[tilespmem:$0x220] =	vst v2  }
0x7f: {  	v2 =	vadd.f32 v5, v0;
	[tilespmem:$0x270] =	vst v1  }
0x80: {  	v1 =	vadd.f32 v4, v0;
	[tilespmem:$0x210] =	vst v3;
	v3 =	vadd.f32 v6, v0  }
0x81: {  	[tilespmem:$0x200] =	vst v2;
	v2 =	vadd.f32 v7, v0  }
0x82: {  	v4 =	vadd.f32 v8, v0;
	[tilespmem:$0x260] =	vst v3  }
0x83: {  	[tilespmem:$0x250] =	vst v2  }
0x84: {  	[tilespmem:$0x240] =	vst v4  }
0x85: {  	[tilespmem:$0x230] =	vst v1  }
0x86: {  	_ =	swait.ge [sflag:s17], $0x80  }
0x87: {  	[sflag:s17] =	ssyncset.done $0x0  }
0x88: {  	[sflag:s17] =	ssyncadd.s32 $0xFFFFFF80  }
0x89: {  	v1 =	vld [tilespmem:$0x2E0]  }
0x8a: {  	v2 =	vld [tilespmem:$0x2C0]  }
0x8b: {  	v3 =	vld [tilespmem:$0x2A0]  }
0x8c: {  	v4 =	vld [tilespmem:$0x2B0]  }
0x8d: {  	v5 =	vld [tilespmem:$0x280]  }
0x8e: {  	v6 =	vld [tilespmem:$0x290];
	v1 =	vadd.f32 v1, v0  }
0x8f: {  	v7 =	vld [tilespmem:$0x2D0]  }
0x90: {  	v3 =	vadd.f32 v3, v0;
	[tilespmem:$0x2E0] =	vst v1;
	v1 =	vld [tilespmem:$0x2F0]  }
0x91: {  	v4 =	vadd.f32 v4, v0  }
0x92: {  	v5 =	vadd.f32 v5, v0;
	[tilespmem:$0x2A0] =	vst v3  }
0x93: {  	v2 =	vadd.f32 v2, v0;
	v3 =	vadd.f32 v6, v0;
	[tilespmem:$0x2B0] =	vst v4  }
.Ltmp1:
0x94: {  	[tilespmem:$0x280] =	vst v5;
	v4 =	vadd.f32 v7, v0;
	(pc) =	sbr.rel @p0 .LBB2_1-.Ltmp1, $4  }
0x95: {  	[tilespmem:$0x2C0] =	vst v2;
	v1 =	vadd.f32 v1, v0  }
0x96: {  	[tilespmem:$0x290] =	vst v3  }
0x97: {  	[tilespmem:$0x2F0] =	vst v1  }
0x98: {  	[tilespmem:$0x2D0] =	vst v4  }
.LBB2_2:
0x99: {  	_ =	swait.ge [sflag:s19], $0x80  }
0x9a: {  	[sflag:s19] =	ssyncset.done $0x0  }
0x9b: {  	[sflag:s19] =	ssyncadd.s32 $0xFFFFFF80  }
0x9c: {  	v1 =	vld [tilespmem:$0x370]  }
0x9d: {  	v2 =	vld [tilespmem:$0x330]  }
0x9e: {  	v3 =	vld [tilespmem:$0x360]  }
0x9f: {  	v4 =	vld [tilespmem:$0x320]  }
0xa0: {  	v5 =	vld [tilespmem:$0x350]  }
0xa1: {  	v6 =	vld [tilespmem:$0x340];
	v1 =	vadd.f32 v1, v0  }
0xa2: {  	v7 =	vld [tilespmem:$0x310];
	v2 =	vadd.f32 v2, v0  }
0xa3: {  	v8 =	vld [tilespmem:$0x300];
	v3 =	vadd.f32 v3, v0;
	[tilespmem:$0x370] =	vst v1  }
0xa4: {  	v45 =	vadd.f32 v4, v0;
	[tilespmem:$0x330] =	vst v2  }
0xa5: {  	v46 =	vadd.f32 v5, v0;
	[tilespmem:$0x360] =	vst v3  }
0xa6: {  	v47 =	vadd.f32 v6, v0;
	[tilespmem:$0x320] =	vst v45  }
0xa7: {  	v48 =	vadd.f32 v7, v0;
	[tilespmem:$0x350] =	vst v46  }
0xa8: {  	v49 =	vadd.f32 v8, v0;
	[tilespmem:$0x340] =	vst v47  }
0xa9: {  	[tilespmem:$0x310] =	vst v48  }
0xaa: {  	[tilespmem:$0x300] =	vst v49  }
0xab: {  	_ =	swait.ge [sflag:s18], $0x80  }
0xac: {  	[sflag:s18] =	ssyncset.done $0x0  }
0xad: {  	[sflag:s18] =	ssyncadd.s32 $0xFFFFFF80  }
0xae: {  	v50 =	vld [tilespmem:$0x380]  }
0xaf: {  	v51 =	vld [tilespmem:$0x390]  }
0xb0: {  	v52 =	vld [tilespmem:$0x3A0]  }
0xb1: {  	v53 =	vld [tilespmem:$0x3B0]  }
0xb2: {  	v54 =	vld [tilespmem:$0x3D0]  }
0xb3: {  	v55 =	vld [tilespmem:$0x3E0];
	v1 =	vadd.f32 v50, v0  }
0xb4: {  	v56 =	vld [tilespmem:$0x3F0];
	v2 =	vadd.f32 v51, v0  }
0xb5: {  	v58 =	vld [tilespmem:$0x3C0];
	v57 =	vadd.f32 v52, v0;
	[tilespmem:$0x380] =	vst v1  }
0xb6: {  	v59 =	vadd.f32 v53, v0;
	[tilespmem:$0x390] =	vst v2  }
0xb7: {  	v60 =	vadd.f32 v54, v0;
	[tilespmem:$0x3A0] =	vst v57  }
0xb8: {  	v61 =	vadd.f32 v55, v0;
	[tilespmem:$0x3B0] =	vst v59  }
0xb9: {  	v62 =	vadd.f32 v56, v0;
	[tilespmem:$0x3D0] =	vst v60  }
0xba: {  	v63 =	vadd.f32 v58, v0;
	[tilespmem:$0x3E0] =	vst v61  }
0xbb: {  	[tilespmem:$0x3F0] =	vst v62  }
0xbc: {  	[tilespmem:$0x3C0] =	vst v63  }
0xbd: {  	[hbm4b:s16+s2] =	stream.linear.scatter [tilespmem:s4], [sflag:$0x5], $0x200, $0x38;
	[tilespmem:$0x410] =	vst v63  }
0xbe: {  	_ =	swait.ge [sflag:s3], $0x200  }
0xbf: {  	[sflag:s3] =	ssyncset.done $0x0  }
0xc0: {  	[sflag:s3] =	ssyncadd.s32 $0xFFFFFE00  }
0xc1: {  	_ =	sfence.sel $0x180000  }
0xc2: {  	[bflag:$0x0] =	sbarrier.arrive $0xFFFF  }
0xc3: {  	p0 =	sne.s32 s1, $0x0;
	_ =	strace $0x90000047  }
0xc4: {  	s0 =	sadd.s32 @!p0 $0x100000, s0;
	[bflag:$0x2] =	sbarrier.arrive $0xFFFF  }
0xc5: {  	[sflag:s0] =	ssyncadd.tile.s32 @!p0 $0x1;
	_ =	shalt  }
.Lfunc_end2:
_tile_overlayer_lowered:
.L_overlay_start_2:
0xc6: {  	(tag) =	ssettag $0x2  }
0xc7: {  	s0 =	rddreg [dreg:$0x0];
	s2 =	stileid.u32  }
0xc8: {  	s1 =	rddreg [dreg:$0x1];
	p0 =	sne.s32 s2, $0x0  }
0xc9: {  	s3 =	rddreg [dreg:$0x2];
	[bflag:$0x3] =	sbarrier.arrive $0xFFFF;
	s2 =	simm.s32 @!p0 $0x1C05  }
0xca: {  	[timem:s3], [sflag:s2] =	dma.local @!p0 [hbm:s0], s1  }
0xcb: {  	s0 =	simm.s32 @!p0 $0x5  }
0xcc: {  	_ =	swait.ge @!p0 [sflag:s0], s1  }
0xcd: {  	s1 =	ssub.s32 @!p0 $0x0, s1;
	[sflag:s0] =	ssyncset.done @!p0 $0x0  }
0xce: {  	[sflag:s0] =	ssyncadd.s32 @!p0 s1  }
0xcf: {  	[bflag:$0x3] =	sbarrier.arrive $0xFFFF  }
0xd0: {  	_ =	shalt  }

</sc_bundles>
